<compile_context>
chip_gen: v7x
topology: tpu7x:2x2x1
jax: 0.10.2.dev20260603
libtpu: 0.0.44.dev20260713+nightly
codegen_flags: <defaults>
</compile_context>

<pallas_src>
import jax
import jax.numpy as jnp
from jax import lax
from jax.experimental import pallas as pl
from jax.experimental.pallas import tpu as pltpu
from jax.experimental.pallas import tpu_sc as plsc

N = 10000
D = 128
E = 320000
NC, NS, L = 2, 16, 16
NW = NC * NS
EPT = E // NW
DW = 8
CL = 128
NF = EPT // CL
TL = EPT - NF * CL
RPT = N // NS
ZR = 64


def _sc_body(x_hbm, e_hbm, ones_hbm, zacc_hbm, zdeg_hbm, parts, degp,
             idx_r, idx_c, buf0, buf1, ones_v, acc, deg,
             semg0, semg1, semd):
    c = lax.axis_index("c")
    s = lax.axis_index("s")
    wid = c * NS + s

    pltpu.sync_copy(e_hbm.at[0, pl.ds(wid * EPT, EPT)], idx_r)
    pltpu.sync_copy(e_hbm.at[1, pl.ds(wid * EPT, EPT)], idx_c)
    pltpu.sync_copy(ones_hbm, ones_v)

    base = s * RPT
    for k in range(9):
        pltpu.sync_copy(zacc_hbm, acc.at[pl.ds(base + k * ZR, ZR)])
        pltpu.sync_copy(zdeg_hbm, deg.at[pl.ds(base + k * ZR, ZR)])
    pltpu.sync_copy(zacc_hbm.at[pl.ds(0, 49)], acc.at[pl.ds(base + 9 * ZR, 49)])
    pltpu.sync_copy(zdeg_hbm.at[pl.ds(0, 49)],
                    deg.at[pl.ds(base + 9 * ZR, 49)])
    plsc.subcore_barrier()

    def cidx(j):
        return idx_c.at[pl.ds(j * CL, CL)]

    def ridx(j):
        return idx_r.at[pl.ds(j * CL, CL)]

    pltpu.async_copy(x_hbm.at[cidx(0)], buf0, semg0)
    pltpu.async_copy(x_hbm.at[cidx(1)], buf1, semg1)

    def step(j, buf, semg):
        pltpu.make_async_copy(x_hbm.at[cidx(j)], buf, semg).wait()
        dsc = pltpu.async_copy(ones_v, deg.at[ridx(j)], semd, add=True)
        pltpu.sync_copy(buf, acc.at[ridx(j)], add=True)
        dsc.wait()

    def body(i, carry):
        j0 = 2 * i
        step(j0, buf0, semg0)
        pltpu.async_copy(x_hbm.at[cidx(j0 + 2)], buf0, semg0)
        step(j0 + 1, buf1, semg1)
        pltpu.async_copy(x_hbm.at[cidx(j0 + 3)], buf1, semg1)
        return carry

    lax.fori_loop(0, (NF - 2) // 2, body, 0)

    step(NF - 2, buf0, semg0)
    pltpu.async_copy(x_hbm.at[idx_c.at[pl.ds(NF * CL, TL)]],
                     buf0.at[pl.ds(0, TL)], semg0)
    step(NF - 1, buf1, semg1)
    pltpu.make_async_copy(x_hbm.at[idx_c.at[pl.ds(NF * CL, TL)]],
                          buf0.at[pl.ds(0, TL)], semg0).wait()
    dsc = pltpu.async_copy(ones_v.at[pl.ds(0, TL)],
                           deg.at[idx_r.at[pl.ds(NF * CL, TL)]],
                           semd, add=True)
    pltpu.sync_copy(buf0.at[pl.ds(0, TL)],
                    acc.at[idx_r.at[pl.ds(NF * CL, TL)]], add=True)
    dsc.wait()

    plsc.subcore_barrier()
    pltpu.sync_copy(acc.at[pl.ds(base, RPT)], parts.at[c, pl.ds(base, RPT)])
    pltpu.sync_copy(deg.at[pl.ds(base, RPT)], degp.at[c, pl.ds(base, RPT)])


_sc_scatter = pl.kernel(
    _sc_body,
    out_type=[
        jax.ShapeDtypeStruct((NC, N, D), jnp.bfloat16),
        jax.ShapeDtypeStruct((NC, N, DW), jnp.float32),
    ],
    mesh=plsc.VectorSubcoreMesh(core_axis_name="c", subcore_axis_name="s",
                                num_cores=NC, num_subcores=NS),
    scratch_types=[
        pltpu.VMEM((EPT,), jnp.int32),
        pltpu.VMEM((EPT,), jnp.int32),
        pltpu.VMEM((CL, D), jnp.bfloat16),
        pltpu.VMEM((CL, D), jnp.bfloat16),
        pltpu.VMEM((CL, DW), jnp.float32),
        pltpu.VMEM_SHARED((N, D), jnp.bfloat16),
        pltpu.VMEM_SHARED((N, DW), jnp.float32),
        pltpu.SemaphoreType.DMA,
        pltpu.SemaphoreType.DMA,
        pltpu.SemaphoreType.DMA,
    ],
    compiler_params=pltpu.CompilerParams(use_tc_tiling_on_sc=False),
)


def _combine_body(rate_ref, x_ref, p_ref, d_ref, o_ref):
    x = x_ref[...]
    ssum = p_ref[0].astype(jnp.float32) + p_ref[1].astype(jnp.float32)
    deg = d_ref[0, :, :1] + d_ref[1, :, :1]
    deg = jnp.maximum(deg, 1.0)
    r = jnp.clip(rate_ref[0], 0.0, 0.2)
    o_ref[...] = jnp.maximum(x - r * (ssum / deg), 0.0)


_BR = 1000


def _combine(x, parts, degp, rate):
    return pl.pallas_call(
        _combine_body,
        grid=(N // _BR,),
        in_specs=[
            pl.BlockSpec(memory_space=pltpu.SMEM),
            pl.BlockSpec((_BR, D), lambda i: (i, 0)),
            pl.BlockSpec((NC, _BR, D), lambda i: (0, i, 0)),
            pl.BlockSpec((NC, _BR, DW), lambda i: (0, i, 0)),
        ],
        out_specs=pl.BlockSpec((_BR, D), lambda i: (i, 0)),
        out_shape=jax.ShapeDtypeStruct((N, D), jnp.float32),
    )(rate, x, parts, degp)


@jax.jit
def kernel(x, edge_index, rate):
    xb = x.astype(jnp.bfloat16)
    ones_hbm = jnp.tile(jnp.eye(1, DW, dtype=jnp.float32), (CL, 1))
    zacc_hbm = jnp.zeros((ZR, D), jnp.bfloat16)
    zdeg_hbm = jnp.zeros((ZR, DW), jnp.float32)

    parts, degp = _sc_scatter(xb, edge_index, ones_hbm, zacc_hbm, zdeg_hbm)
    return _combine(x, parts, degp, rate)

# --- scband reference (transcript-rebuilt; emitter-appended) ---
"""Pipeline reference for scband-spillover-compensation-layer-75814762709166 (READ-ONLY COPY).

The authoritative reference and input builder live on the scoring server;
editing this copy changes nothing except your own understanding.
"""

import jax, jax.numpy as jnp
import numpy as np

N_NODES = 10000
N_EDGES = 320000
D_FEAT = 128


def setup_inputs(seed: int = 0) -> dict:
    key = jax.random.key(seed)
    k1, k2 = jax.random.split(key)
    x = jax.random.normal(k1, (N_NODES, D_FEAT), dtype=jnp.float32)
    edge_index = jax.random.randint(k2, (2, N_EDGES), 0, N_NODES, dtype=jnp.int32)
    rate = jnp.array([0.05], dtype=jnp.float32)
    return {"x": x, "edge_index": edge_index, "rate": rate}


def reference(x, edge_index, rate):
    row = edge_index[0]
    col = edge_index[1]
    # scatter-add: neighbor_sum.index_add_(0, row, x[col])
    gathered = jnp.take(x, col, axis=0)
    neighbor_sum = jnp.zeros_like(x).at[row].add(gathered)
    # degree(row, N) == bincount of row indices
    deg = jnp.bincount(row, length=x.shape[0]).astype(x.dtype)[:, None]
    deg = jnp.clip(deg, 1.0, None)
    neighbor_avg = neighbor_sum / deg
    r = jnp.clip(rate, 0.0, 0.2)
    x_clean = x - r * neighbor_avg
    return jax.nn.relu(x_clean)

if __name__ == "__main__":
    import jax
    _d = setup_inputs()
    print(jax.jit(kernel)(*tuple(_d.values())))

</pallas_src>

<mosaic_0001>
#map = affine_map<(d0, d1) -> (0, 0)>
#map1 = affine_map<(d0, d1) -> (0, 0, 0)>
module attributes {stable_mosaic.version = 14 : i64} {
  func.func @_sc_body(%arg0: i32, %arg1: i32, %arg2: memref<10000x128xbf16, #tpu.memory_space<hbm>>, %arg3: memref<2x320000xi32, #tpu.memory_space<hbm>>, %arg4: memref<128x8xf32, #tpu.memory_space<hbm>>, %arg5: memref<64x128xbf16, #tpu.memory_space<hbm>>, %arg6: memref<64x8xf32, #tpu.memory_space<hbm>>, %arg7: memref<2x10000x128xbf16, #tpu.memory_space<hbm>>, %arg8: memref<2x10000x8xf32, #tpu.memory_space<hbm>>, %arg9: memref<10000xi32, #tpu.memory_space<vmem>>, %arg10: memref<10000xi32, #tpu.memory_space<vmem>>, %arg11: memref<128x128xbf16, #tpu.memory_space<vmem>>, %arg12: memref<128x128xbf16, #tpu.memory_space<vmem>>, %arg13: memref<128x8xf32, #tpu.memory_space<vmem>>, %arg14: memref<10000x128xbf16, #tpu.memory_space<vmem_shared>>, %arg15: memref<10000x8xf32, #tpu.memory_space<vmem_shared>>, %arg16: memref<!tpu.dma_semaphore, #tpu.memory_space<semaphore_mem>>, %arg17: memref<!tpu.dma_semaphore, #tpu.memory_space<semaphore_mem>>, %arg18: memref<!tpu.dma_semaphore, #tpu.memory_space<semaphore_mem>>) attributes {dimension_semantics = [#tpu.dimension_semantics<core_parallel>, #tpu.dimension_semantics<subcore_parallel>], iteration_bounds = array<i64: 2, 16>, scalar_prefetch = 0 : i64, scratch_operands = 10 : i64, tpu.core_type = #tpu.core_type<sc_vector_subcore>, window_params = [{transform_indices = #map}, {transform_indices = #map}, {transform_indices = #map}, {transform_indices = #map}, {transform_indices = #map}, {transform_indices = #map1}, {transform_indices = #map1}]} {
    %mul3A = arith.constant 16 : i32
    %mul3A_0 = arith.muli %arg0, %mul3A : i32
    %add3A = arith.addi %mul3A_0, %arg1 : i32
    %mul3A_1 = arith.constant 10000 : i32
    %mul3A_2 = arith.muli %add3A, %mul3A_1 : i32
    %run_scoped3A = arith.constant 0 : i32
    "tpu.region"() ({
      %run_scoped3A_124 = tpu.sem_alloc : memref<!tpu.dma_semaphore, #tpu.memory_space<semaphore_mem>>
      %dma_start3A_125 = tpu.memref_slice %arg3[%run_scoped3A, %mul3A_2] : memref<2x320000xi32, #tpu.memory_space<hbm>> -> memref<1x10000xi32, #tpu.memory_space<hbm>>
      %dma_start3A_126 = tpu.memref_squeeze %dma_start3A_125 : memref<1x10000xi32, #tpu.memory_space<hbm>> -> memref<10000xi32, #tpu.memory_space<hbm>>
      %dma_start3A_127 = tpu.memref_slice %arg3[%run_scoped3A, %mul3A_2] : memref<2x320000xi32, #tpu.memory_space<hbm>> -> memref<1x10000xi32, #tpu.memory_space<hbm>>
      %dma_start3A_128 = tpu.memref_squeeze %dma_start3A_127 : memref<1x10000xi32, #tpu.memory_space<hbm>> -> memref<10000xi32, #tpu.memory_space<hbm>>
      tpu.enqueue_dma source(%dma_start3A_128 : memref<10000xi32, #tpu.memory_space<hbm>>) target(%arg9 : memref<10000xi32, #tpu.memory_space<vmem>>) target_semaphore(%run_scoped3A_124 : memref<!tpu.dma_semaphore, #tpu.memory_space<semaphore_mem>>)
      %dma_wait3A_129 = tpu.memref_slice %arg3[%run_scoped3A, %mul3A_2] : memref<2x320000xi32, #tpu.memory_space<hbm>> -> memref<1x10000xi32, #tpu.memory_space<hbm>>
      %dma_wait3A_130 = tpu.memref_squeeze %dma_wait3A_129 : memref<1x10000xi32, #tpu.memory_space<hbm>> -> memref<10000xi32, #tpu.memory_space<hbm>>
      %dma_wait3A_131 = tpu.memref_slice %arg3[%run_scoped3A, %mul3A_2] : memref<2x320000xi32, #tpu.memory_space<hbm>> -> memref<1x10000xi32, #tpu.memory_space<hbm>>
      %dma_wait3A_132 = tpu.memref_squeeze %dma_wait3A_131 : memref<1x10000xi32, #tpu.memory_space<hbm>> -> memref<10000xi32, #tpu.memory_space<hbm>>
      tpu.wait_dma2 semaphore(%run_scoped3A_124 : memref<!tpu.dma_semaphore, #tpu.memory_space<semaphore_mem>>) src(%dma_wait3A_132 : memref<10000xi32, #tpu.memory_space<hbm>>) dst(%arg9 : memref<10000xi32, #tpu.memory_space<vmem>>)
      tpu.yield
    }) : () -> ()
    %mul3A_3 = arith.constant 10000 : i32
    %mul3A_4 = arith.muli %add3A, %mul3A_3 : i32
    %run_scoped3A_5 = arith.constant 1 : i32
    "tpu.region"() ({
      %run_scoped3A_124 = tpu.sem_alloc : memref<!tpu.dma_semaphore, #tpu.memory_space<semaphore_mem>>
      %dma_start3A_125 = tpu.memref_slice %arg3[%run_scoped3A_5, %mul3A_4] : memref<2x320000xi32, #tpu.memory_space<hbm>> -> memref<1x10000xi32, #tpu.memory_space<hbm>>
      %dma_start3A_126 = tpu.memref_squeeze %dma_start3A_125 : memref<1x10000xi32, #tpu.memory_space<hbm>> -> memref<10000xi32, #tpu.memory_space<hbm>>
      %dma_start3A_127 = tpu.memref_slice %arg3[%run_scoped3A_5, %mul3A_4] : memref<2x320000xi32, #tpu.memory_space<hbm>> -> memref<1x10000xi32, #tpu.memory_space<hbm>>
      %dma_start3A_128 = tpu.memref_squeeze %dma_start3A_127 : memref<1x10000xi32, #tpu.memory_space<hbm>> -> memref<10000xi32, #tpu.memory_space<hbm>>
      tpu.enqueue_dma source(%dma_start3A_128 : memref<10000xi32, #tpu.memory_space<hbm>>) target(%arg10 : memref<10000xi32, #tpu.memory_space<vmem>>) target_semaphore(%run_scoped3A_124 : memref<!tpu.dma_semaphore, #tpu.memory_space<semaphore_mem>>)
      %dma_wait3A_129 = tpu.memref_slice %arg3[%run_scoped3A_5, %mul3A_4] : memref<2x320000xi32, #tpu.memory_space<hbm>> -> memref<1x10000xi32, #tpu.memory_space<hbm>>
      %dma_wait3A_130 = tpu.memref_squeeze %dma_wait3A_129 : memref<1x10000xi32, #tpu.memory_space<hbm>> -> memref<10000xi32, #tpu.memory_space<hbm>>
      %dma_wait3A_131 = tpu.memref_slice %arg3[%run_scoped3A_5, %mul3A_4] : memref<2x320000xi32, #tpu.memory_space<hbm>> -> memref<1x10000xi32, #tpu.memory_space<hbm>>
      %dma_wait3A_132 = tpu.memref_squeeze %dma_wait3A_131 : memref<1x10000xi32, #tpu.memory_space<hbm>> -> memref<10000xi32, #tpu.memory_space<hbm>>
      tpu.wait_dma2 semaphore(%run_scoped3A_124 : memref<!tpu.dma_semaphore, #tpu.memory_space<semaphore_mem>>) src(%dma_wait3A_132 : memref<10000xi32, #tpu.memory_space<hbm>>) dst(%arg10 : memref<10000xi32, #tpu.memory_space<vmem>>)
      tpu.yield
    }) : () -> ()
    "tpu.region"() ({
      %run_scoped3A_124 = tpu.sem_alloc : memref<!tpu.dma_semaphore, #tpu.memory_space<semaphore_mem>>
      tpu.enqueue_dma source(%arg4 : memref<128x8xf32, #tpu.memory_space<hbm>>) target(%arg13 : memref<128x8xf32, #tpu.memory_space<vmem>>) target_semaphore(%run_scoped3A_124 : memref<!tpu.dma_semaphore, #tpu.memory_space<semaphore_mem>>)
      tpu.wait_dma2 semaphore(%run_scoped3A_124 : memref<!tpu.dma_semaphore, #tpu.memory_space<semaphore_mem>>) src(%arg4 : memref<128x8xf32, #tpu.memory_space<hbm>>) dst(%arg13 : memref<128x8xf32, #tpu.memory_space<vmem>>)
      tpu.yield
    }) : () -> ()
    %mul3A_6 = arith.constant 625 : i32
    %mul3A_7 = arith.muli %arg1, %mul3A_6 : i32
    %add3A_8 = arith.constant 0 : i32
    %add3A_9 = arith.addi %mul3A_7, %add3A_8 : i32
    "tpu.region"() ({
      %run_scoped3A_124 = tpu.sem_alloc : memref<!tpu.dma_semaphore, #tpu.memory_space<semaphore_mem>>
      %dma_start3A_125 = arith.constant 0 : i32
      %dma_start3A_126 = tpu.memref_slice %arg14[%add3A_9, %dma_start3A_125] : memref<10000x128xbf16, #tpu.memory_space<vmem_shared>> -> memref<64x128xbf16, #tpu.memory_space<vmem_shared>>
      tpu.enqueue_dma source(%arg5 : memref<64x128xbf16, #tpu.memory_space<hbm>>) target(%dma_start3A_126 : memref<64x128xbf16, #tpu.memory_space<vmem_shared>>) target_semaphore(%run_scoped3A_124 : memref<!tpu.dma_semaphore, #tpu.memory_space<semaphore_mem>>)
      %dma_wait3A_127 = arith.constant 0 : i32
      %dma_wait3A_128 = tpu.memref_slice %arg14[%add3A_9, %dma_wait3A_127] : memref<10000x128xbf16, #tpu.memory_space<vmem_shared>> -> memref<64x128xbf16, #tpu.memory_space<vmem_shared>>
      tpu.wait_dma2 semaphore(%run_scoped3A_124 : memref<!tpu.dma_semaphore, #tpu.memory_space<semaphore_mem>>) src(%arg5 : memref<64x128xbf16, #tpu.memory_space<hbm>>) dst(%dma_wait3A_128 : memref<64x128xbf16, #tpu.memory_space<vmem_shared>>)
      tpu.yield
    }) : () -> ()
    %add3A_10 = arith.constant 0 : i32
    %add3A_11 = arith.addi %mul3A_7, %add3A_10 : i32
    "tpu.region"() ({
      %run_scoped3A_124 = tpu.sem_alloc : memref<!tpu.dma_semaphore, #tpu.memory_space<semaphore_mem>>
      %dma_start3A_125 = arith.constant 0 : i32
      %dma_start3A_126 = tpu.memref_slice %arg15[%add3A_11, %dma_start3A_125] : memref<10000x8xf32, #tpu.memory_space<vmem_shared>> -> memref<64x8xf32, #tpu.memory_space<vmem_shared>>
      tpu.enqueue_dma source(%arg6 : memref<64x8xf32, #tpu.memory_space<hbm>>) target(%dma_start3A_126 : memref<64x8xf32, #tpu.memory_space<vmem_shared>>) target_semaphore(%run_scoped3A_124 : memref<!tpu.dma_semaphore, #tpu.memory_space<semaphore_mem>>)
      %dma_wait3A_127 = arith.constant 0 : i32
      %dma_wait3A_128 = tpu.memref_slice %arg15[%add3A_11, %dma_wait3A_127] : memref<10000x8xf32, #tpu.memory_space<vmem_shared>> -> memref<64x8xf32, #tpu.memory_space<vmem_shared>>
      tpu.wait_dma2 semaphore(%run_scoped3A_124 : memref<!tpu.dma_semaphore, #tpu.memory_space<semaphore_mem>>) src(%arg6 : memref<64x8xf32, #tpu.memory_space<hbm>>) dst(%dma_wait3A_128 : memref<64x8xf32, #tpu.memory_space<vmem_shared>>)
      tpu.yield
    }) : () -> ()
    %add3A_12 = arith.constant 64 : i32
    %add3A_13 = arith.addi %mul3A_7, %add3A_12 : i32
    "tpu.region"() ({
      %run_scoped3A_124 = tpu.sem_alloc : memref<!tpu.dma_semaphore, #tpu.memory_space<semaphore_mem>>
      %dma_start3A_125 = arith.constant 0 : i32
      %dma_start3A_126 = tpu.memref_slice %arg14[%add3A_13, %dma_start3A_125] : memref<10000x128xbf16, #tpu.memory_space<vmem_shared>> -> memref<64x128xbf16, #tpu.memory_space<vmem_shared>>
      tpu.enqueue_dma source(%arg5 : memref<64x128xbf16, #tpu.memory_space<hbm>>) target(%dma_start3A_126 : memref<64x128xbf16, #tpu.memory_space<vmem_shared>>) target_semaphore(%run_scoped3A_124 : memref<!tpu.dma_semaphore, #tpu.memory_space<semaphore_mem>>)
      %dma_wait3A_127 = arith.constant 0 : i32
      %dma_wait3A_128 = tpu.memref_slice %arg14[%add3A_13, %dma_wait3A_127] : memref<10000x128xbf16, #tpu.memory_space<vmem_shared>> -> memref<64x128xbf16, #tpu.memory_space<vmem_shared>>
      tpu.wait_dma2 semaphore(%run_scoped3A_124 : memref<!tpu.dma_semaphore, #tpu.memory_space<semaphore_mem>>) src(%arg5 : memref<64x128xbf16, #tpu.memory_space<hbm>>) dst(%dma_wait3A_128 : memref<64x128xbf16, #tpu.memory_space<vmem_shared>>)
      tpu.yield
    }) : () -> ()
    %add3A_14 = arith.constant 64 : i32
    %add3A_15 = arith.addi %mul3A_7, %add3A_14 : i32
    "tpu.region"() ({
      %run_scoped3A_124 = tpu.sem_alloc : memref<!tpu.dma_semaphore, #tpu.memory_space<semaphore_mem>>
      %dma_start3A_125 = arith.constant 0 : i32
      %dma_start3A_126 = tpu.memref_slice %arg15[%add3A_15, %dma_start3A_125] : memref<10000x8xf32, #tpu.memory_space<vmem_shared>> -> memref<64x8xf32, #tpu.memory_space<vmem_shared>>
      tpu.enqueue_dma source(%arg6 : memref<64x8xf32, #tpu.memory_space<hbm>>) target(%dma_start3A_126 : memref<64x8xf32, #tpu.memory_space<vmem_shared>>) target_semaphore(%run_scoped3A_124 : memref<!tpu.dma_semaphore, #tpu.memory_space<semaphore_mem>>)
      %dma_wait3A_127 = arith.constant 0 : i32
      %dma_wait3A_128 = tpu.memref_slice %arg15[%add3A_15, %dma_wait3A_127] : memref<10000x8xf32, #tpu.memory_space<vmem_shared>> -> memref<64x8xf32, #tpu.memory_space<vmem_shared>>
      tpu.wait_dma2 semaphore(%run_scoped3A_124 : memref<!tpu.dma_semaphore, #tpu.memory_space<semaphore_mem>>) src(%arg6 : memref<64x8xf32, #tpu.memory_space<hbm>>) dst(%dma_wait3A_128 : memref<64x8xf32, #tpu.memory_space<vmem_shared>>)
      tpu.yield
    }) : () -> ()
    %add3A_16 = arith.constant 128 : i32
    %add3A_17 = arith.addi %mul3A_7, %add3A_16 : i32
    "tpu.region"() ({
      %run_scoped3A_124 = tpu.sem_alloc : memref<!tpu.dma_semaphore, #tpu.memory_space<semaphore_mem>>
      %dma_start3A_125 = arith.constant 0 : i32
      %dma_start3A_126 = tpu.memref_slice %arg14[%add3A_17, %dma_start3A_125] : memref<10000x128xbf16, #tpu.memory_space<vmem_shared>> -> memref<64x128xbf16, #tpu.memory_space<vmem_shared>>
      tpu.enqueue_dma source(%arg5 : memref<64x128xbf16, #tpu.memory_space<hbm>>) target(%dma_start3A_126 : memref<64x128xbf16, #tpu.memory_space<vmem_shared>>) target_semaphore(%run_scoped3A_124 : memref<!tpu.dma_semaphore, #tpu.memory_space<semaphore_mem>>)
      %dma_wait3A_127 = arith.constant 0 : i32
      %dma_wait3A_128 = tpu.memref_slice %arg14[%add3A_17, %dma_wait3A_127] : memref<10000x128xbf16, #tpu.memory_space<vmem_shared>> -> memref<64x128xbf16, #tpu.memory_space<vmem_shared>>
      tpu.wait_dma2 semaphore(%run_scoped3A_124 : memref<!tpu.dma_semaphore, #tpu.memory_space<semaphore_mem>>) src(%arg5 : memref<64x128xbf16, #tpu.memory_space<hbm>>) dst(%dma_wait3A_128 : memref<64x128xbf16, #tpu.memory_space<vmem_shared>>)
      tpu.yield
    }) : () -> ()
    %add3A_18 = arith.constant 128 : i32
    %add3A_19 = arith.addi %mul3A_7, %add3A_18 : i32
    "tpu.region"() ({
      %run_scoped3A_124 = tpu.sem_alloc : memref<!tpu.dma_semaphore, #tpu.memory_space<semaphore_mem>>
      %dma_start3A_125 = arith.constant 0 : i32
      %dma_start3A_126 = tpu.memref_slice %arg15[%add3A_19, %dma_start3A_125] : memref<10000x8xf32, #tpu.memory_space<vmem_shared>> -> memref<64x8xf32, #tpu.memory_space<vmem_shared>>
      tpu.enqueue_dma source(%arg6 : memref<64x8xf32, #tpu.memory_space<hbm>>) target(%dma_start3A_126 : memref<64x8xf32, #tpu.memory_space<vmem_shared>>) target_semaphore(%run_scoped3A_124 : memref<!tpu.dma_semaphore, #tpu.memory_space<semaphore_mem>>)
      %dma_wait3A_127 = arith.constant 0 : i32
      %dma_wait3A_128 = tpu.memref_slice %arg15[%add3A_19, %dma_wait3A_127] : memref<10000x8xf32, #tpu.memory_space<vmem_shared>> -> memref<64x8xf32, #tpu.memory_space<vmem_shared>>
      tpu.wait_dma2 semaphore(%run_scoped3A_124 : memref<!tpu.dma_semaphore, #tpu.memory_space<semaphore_mem>>) src(%arg6 : memref<64x8xf32, #tpu.memory_space<hbm>>) dst(%dma_wait3A_128 : memref<64x8xf32, #tpu.memory_space<vmem_shared>>)
      tpu.yield
    }) : () -> ()
    %add3A_20 = arith.constant 192 : i32
    %add3A_21 = arith.addi %mul3A_7, %add3A_20 : i32
    "tpu.region"() ({
      %run_scoped3A_124 = tpu.sem_alloc : memref<!tpu.dma_semaphore, #tpu.memory_space<semaphore_mem>>
      %dma_start3A_125 = arith.constant 0 : i32
      %dma_start3A_126 = tpu.memref_slice %arg14[%add3A_21, %dma_start3A_125] : memref<10000x128xbf16, #tpu.memory_space<vmem_shared>> -> memref<64x128xbf16, #tpu.memory_space<vmem_shared>>
      tpu.enqueue_dma source(%arg5 : memref<64x128xbf16, #tpu.memory_space<hbm>>) target(%dma_start3A_126 : memref<64x128xbf16, #tpu.memory_space<vmem_shared>>) target_semaphore(%run_scoped3A_124 : memref<!tpu.dma_semaphore, #tpu.memory_space<semaphore_mem>>)
      %dma_wait3A_127 = arith.constant 0 : i32
      %dma_wait3A_128 = tpu.memref_slice %arg14[%add3A_21, %dma_wait3A_127] : memref<10000x128xbf16, #tpu.memory_space<vmem_shared>> -> memref<64x128xbf16, #tpu.memory_space<vmem_shared>>
      tpu.wait_dma2 semaphore(%run_scoped3A_124 : memref<!tpu.dma_semaphore, #tpu.memory_space<semaphore_mem>>) src(%arg5 : memref<64x128xbf16, #tpu.memory_space<hbm>>) dst(%dma_wait3A_128 : memref<64x128xbf16, #tpu.memory_space<vmem_shared>>)
      tpu.yield
    }) : () -> ()
    %add3A_22 = arith.constant 192 : i32
    %add3A_23 = arith.addi %mul3A_7, %add3A_22 : i32
    "tpu.region"() ({
      %run_scoped3A_124 = tpu.sem_alloc : memref<!tpu.dma_semaphore, #tpu.memory_space<semaphore_mem>>
      %dma_start3A_125 = arith.constant 0 : i32
      %dma_start3A_126 = tpu.memref_slice %arg15[%add3A_23, %dma_start3A_125] : memref<10000x8xf32, #tpu.memory_space<vmem_shared>> -> memref<64x8xf32, #tpu.memory_space<vmem_shared>>
      tpu.enqueue_dma source(%arg6 : memref<64x8xf32, #tpu.memory_space<hbm>>) target(%dma_start3A_126 : memref<64x8xf32, #tpu.memory_space<vmem_shared>>) target_semaphore(%run_scoped3A_124 : memref<!tpu.dma_semaphore, #tpu.memory_space<semaphore_mem>>)
      %dma_wait3A_127 = arith.constant 0 : i32
      %dma_wait3A_128 = tpu.memref_slice %arg15[%add3A_23, %dma_wait3A_127] : memref<10000x8xf32, #tpu.memory_space<vmem_shared>> -> memref<64x8xf32, #tpu.memory_space<vmem_shared>>
      tpu.wait_dma2 semaphore(%run_scoped3A_124 : memref<!tpu.dma_semaphore, #tpu.memory_space<semaphore_mem>>) src(%arg6 : memref<64x8xf32, #tpu.memory_space<hbm>>) dst(%dma_wait3A_128 : memref<64x8xf32, #tpu.memory_space<vmem_shared>>)
      tpu.yield
    }) : () -> ()
    %add3A_24 = arith.constant 256 : i32
    %add3A_25 = arith.addi %mul3A_7, %add3A_24 : i32
    "tpu.region"() ({
      %run_scoped3A_124 = tpu.sem_alloc : memref<!tpu.dma_semaphore, #tpu.memory_space<semaphore_mem>>
      %dma_start3A_125 = arith.constant 0 : i32
      %dma_start3A_126 = tpu.memref_slice %arg14[%add3A_25, %dma_start3A_125] : memref<10000x128xbf16, #tpu.memory_space<vmem_shared>> -> memref<64x128xbf16, #tpu.memory_space<vmem_shared>>
      tpu.enqueue_dma source(%arg5 : memref<64x128xbf16, #tpu.memory_space<hbm>>) target(%dma_start3A_126 : memref<64x128xbf16, #tpu.memory_space<vmem_shared>>) target_semaphore(%run_scoped3A_124 : memref<!tpu.dma_semaphore, #tpu.memory_space<semaphore_mem>>)
      %dma_wait3A_127 = arith.constant 0 : i32
      %dma_wait3A_128 = tpu.memref_slice %arg14[%add3A_25, %dma_wait3A_127] : memref<10000x128xbf16, #tpu.memory_space<vmem_shared>> -> memref<64x128xbf16, #tpu.memory_space<vmem_shared>>
      tpu.wait_dma2 semaphore(%run_scoped3A_124 : memref<!tpu.dma_semaphore, #tpu.memory_space<semaphore_mem>>) src(%arg5 : memref<64x128xbf16, #tpu.memory_space<hbm>>) dst(%dma_wait3A_128 : memref<64x128xbf16, #tpu.memory_space<vmem_shared>>)
      tpu.yield
    }) : () -> ()
    %add3A_26 = arith.constant 256 : i32
    %add3A_27 = arith.addi %mul3A_7, %add3A_26 : i32
    "tpu.region"() ({
      %run_scoped3A_124 = tpu.sem_alloc : memref<!tpu.dma_semaphore, #tpu.memory_space<semaphore_mem>>
      %dma_start3A_125 = arith.constant 0 : i32
      %dma_start3A_126 = tpu.memref_slice %arg15[%add3A_27, %dma_start3A_125] : memref<10000x8xf32, #tpu.memory_space<vmem_shared>> -> memref<64x8xf32, #tpu.memory_space<vmem_shared>>
      tpu.enqueue_dma source(%arg6 : memref<64x8xf32, #tpu.memory_space<hbm>>) target(%dma_start3A_126 : memref<64x8xf32, #tpu.memory_space<vmem_shared>>) target_semaphore(%run_scoped3A_124 : memref<!tpu.dma_semaphore, #tpu.memory_space<semaphore_mem>>)
      %dma_wait3A_127 = arith.constant 0 : i32
      %dma_wait3A_128 = tpu.memref_slice %arg15[%add3A_27, %dma_wait3A_127] : memref<10000x8xf32, #tpu.memory_space<vmem_shared>> -> memref<64x8xf32, #tpu.memory_space<vmem_shared>>
      tpu.wait_dma2 semaphore(%run_scoped3A_124 : memref<!tpu.dma_semaphore, #tpu.memory_space<semaphore_mem>>) src(%arg6 : memref<64x8xf32, #tpu.memory_space<hbm>>) dst(%dma_wait3A_128 : memref<64x8xf32, #tpu.memory_space<vmem_shared>>)
      tpu.yield
    }) : () -> ()
    %add3A_28 = arith.constant 320 : i32
    %add3A_29 = arith.addi %mul3A_7, %add3A_28 : i32
    "tpu.region"() ({
      %run_scoped3A_124 = tpu.sem_alloc : memref<!tpu.dma_semaphore, #tpu.memory_space<semaphore_mem>>
      %dma_start3A_125 = arith.constant 0 : i32
      %dma_start3A_126 = tpu.memref_slice %arg14[%add3A_29, %dma_start3A_125] : memref<10000x128xbf16, #tpu.memory_space<vmem_shared>> -> memref<64x128xbf16, #tpu.memory_space<vmem_shared>>
      tpu.enqueue_dma source(%arg5 : memref<64x128xbf16, #tpu.memory_space<hbm>>) target(%dma_start3A_126 : memref<64x128xbf16, #tpu.memory_space<vmem_shared>>) target_semaphore(%run_scoped3A_124 : memref<!tpu.dma_semaphore, #tpu.memory_space<semaphore_mem>>)
      %dma_wait3A_127 = arith.constant 0 : i32
      %dma_wait3A_128 = tpu.memref_slice %arg14[%add3A_29, %dma_wait3A_127] : memref<10000x128xbf16, #tpu.memory_space<vmem_shared>> -> memref<64x128xbf16, #tpu.memory_space<vmem_shared>>
      tpu.wait_dma2 semaphore(%run_scoped3A_124 : memref<!tpu.dma_semaphore, #tpu.memory_space<semaphore_mem>>) src(%arg5 : memref<64x128xbf16, #tpu.memory_space<hbm>>) dst(%dma_wait3A_128 : memref<64x128xbf16, #tpu.memory_space<vmem_shared>>)
      tpu.yield
    }) : () -> ()
    %add3A_30 = arith.constant 320 : i32
    %add3A_31 = arith.addi %mul3A_7, %add3A_30 : i32
    "tpu.region"() ({
      %run_scoped3A_124 = tpu.sem_alloc : memref<!tpu.dma_semaphore, #tpu.memory_space<semaphore_mem>>
      %dma_start3A_125 = arith.constant 0 : i32
      %dma_start3A_126 = tpu.memref_slice %arg15[%add3A_31, %dma_start3A_125] : memref<10000x8xf32, #tpu.memory_space<vmem_shared>> -> memref<64x8xf32, #tpu.memory_space<vmem_shared>>
      tpu.enqueue_dma source(%arg6 : memref<64x8xf32, #tpu.memory_space<hbm>>) target(%dma_start3A_126 : memref<64x8xf32, #tpu.memory_space<vmem_shared>>) target_semaphore(%run_scoped3A_124 : memref<!tpu.dma_semaphore, #tpu.memory_space<semaphore_mem>>)
      %dma_wait3A_127 = arith.constant 0 : i32
      %dma_wait3A_128 = tpu.memref_slice %arg15[%add3A_31, %dma_wait3A_127] : memref<10000x8xf32, #tpu.memory_space<vmem_shared>> -> memref<64x8xf32, #tpu.memory_space<vmem_shared>>
      tpu.wait_dma2 semaphore(%run_scoped3A_124 : memref<!tpu.dma_semaphore, #tpu.memory_space<semaphore_mem>>) src(%arg6 : memref<64x8xf32, #tpu.memory_space<hbm>>) dst(%dma_wait3A_128 : memref<64x8xf32, #tpu.memory_space<vmem_shared>>)
      tpu.yield
    }) : () -> ()
    %add3A_32 = arith.constant 384 : i32
    %add3A_33 = arith.addi %mul3A_7, %add3A_32 : i32
    "tpu.region"() ({
      %run_scoped3A_124 = tpu.sem_alloc : memref<!tpu.dma_semaphore, #tpu.memory_space<semaphore_mem>>
      %dma_start3A_125 = arith.constant 0 : i32
      %dma_start3A_126 = tpu.memref_slice %arg14[%add3A_33, %dma_start3A_125] : memref<10000x128xbf16, #tpu.memory_space<vmem_shared>> -> memref<64x128xbf16, #tpu.memory_space<vmem_shared>>
      tpu.enqueue_dma source(%arg5 : memref<64x128xbf16, #tpu.memory_space<hbm>>) target(%dma_start3A_126 : memref<64x128xbf16, #tpu.memory_space<vmem_shared>>) target_semaphore(%run_scoped3A_124 : memref<!tpu.dma_semaphore, #tpu.memory_space<semaphore_mem>>)
      %dma_wait3A_127 = arith.constant 0 : i32
      %dma_wait3A_128 = tpu.memref_slice %arg14[%add3A_33, %dma_wait3A_127] : memref<10000x128xbf16, #tpu.memory_space<vmem_shared>> -> memref<64x128xbf16, #tpu.memory_space<vmem_shared>>
      tpu.wait_dma2 semaphore(%run_scoped3A_124 : memref<!tpu.dma_semaphore, #tpu.memory_space<semaphore_mem>>) src(%arg5 : memref<64x128xbf16, #tpu.memory_space<hbm>>) dst(%dma_wait3A_128 : memref<64x128xbf16, #tpu.memory_space<vmem_shared>>)
      tpu.yield
    }) : () -> ()
    %add3A_34 = arith.constant 384 : i32
    %add3A_35 = arith.addi %mul3A_7, %add3A_34 : i32
    "tpu.region"() ({
      %run_scoped3A_124 = tpu.sem_alloc : memref<!tpu.dma_semaphore, #tpu.memory_space<semaphore_mem>>
      %dma_start3A_125 = arith.constant 0 : i32
      %dma_start3A_126 = tpu.memref_slice %arg15[%add3A_35, %dma_start3A_125] : memref<10000x8xf32, #tpu.memory_space<vmem_shared>> -> memref<64x8xf32, #tpu.memory_space<vmem_shared>>
      tpu.enqueue_dma source(%arg6 : memref<64x8xf32, #tpu.memory_space<hbm>>) target(%dma_start3A_126 : memref<64x8xf32, #tpu.memory_space<vmem_shared>>) target_semaphore(%run_scoped3A_124 : memref<!tpu.dma_semaphore, #tpu.memory_space<semaphore_mem>>)
      %dma_wait3A_127 = arith.constant 0 : i32
      %dma_wait3A_128 = tpu.memref_slice %arg15[%add3A_35, %dma_wait3A_127] : memref<10000x8xf32, #tpu.memory_space<vmem_shared>> -> memref<64x8xf32, #tpu.memory_space<vmem_shared>>
      tpu.wait_dma2 semaphore(%run_scoped3A_124 : memref<!tpu.dma_semaphore, #tpu.memory_space<semaphore_mem>>) src(%arg6 : memref<64x8xf32, #tpu.memory_space<hbm>>) dst(%dma_wait3A_128 : memref<64x8xf32, #tpu.memory_space<vmem_shared>>)
      tpu.yield
    }) : () -> ()
    %add3A_36 = arith.constant 448 : i32
    %add3A_37 = arith.addi %mul3A_7, %add3A_36 : i32
    "tpu.region"() ({
      %run_scoped3A_124 = tpu.sem_alloc : memref<!tpu.dma_semaphore, #tpu.memory_space<semaphore_mem>>
      %dma_start3A_125 = arith.constant 0 : i32
      %dma_start3A_126 = tpu.memref_slice %arg14[%add3A_37, %dma_start3A_125] : memref<10000x128xbf16, #tpu.memory_space<vmem_shared>> -> memref<64x128xbf16, #tpu.memory_space<vmem_shared>>
      tpu.enqueue_dma source(%arg5 : memref<64x128xbf16, #tpu.memory_space<hbm>>) target(%dma_start3A_126 : memref<64x128xbf16, #tpu.memory_space<vmem_shared>>) target_semaphore(%run_scoped3A_124 : memref<!tpu.dma_semaphore, #tpu.memory_space<semaphore_mem>>)
      %dma_wait3A_127 = arith.constant 0 : i32
      %dma_wait3A_128 = tpu.memref_slice %arg14[%add3A_37, %dma_wait3A_127] : memref<10000x128xbf16, #tpu.memory_space<vmem_shared>> -> memref<64x128xbf16, #tpu.memory_space<vmem_shared>>
      tpu.wait_dma2 semaphore(%run_scoped3A_124 : memref<!tpu.dma_semaphore, #tpu.memory_space<semaphore_mem>>) src(%arg5 : memref<64x128xbf16, #tpu.memory_space<hbm>>) dst(%dma_wait3A_128 : memref<64x128xbf16, #tpu.memory_space<vmem_shared>>)
      tpu.yield
    }) : () -> ()
    %add3A_38 = arith.constant 448 : i32
    %add3A_39 = arith.addi %mul3A_7, %add3A_38 : i32
    "tpu.region"() ({
      %run_scoped3A_124 = tpu.sem_alloc : memref<!tpu.dma_semaphore, #tpu.memory_space<semaphore_mem>>
      %dma_start3A_125 = arith.constant 0 : i32
      %dma_start3A_126 = tpu.memref_slice %arg15[%add3A_39, %dma_start3A_125] : memref<10000x8xf32, #tpu.memory_space<vmem_shared>> -> memref<64x8xf32, #tpu.memory_space<vmem_shared>>
      tpu.enqueue_dma source(%arg6 : memref<64x8xf32, #tpu.memory_space<hbm>>) target(%dma_start3A_126 : memref<64x8xf32, #tpu.memory_space<vmem_shared>>) target_semaphore(%run_scoped3A_124 : memref<!tpu.dma_semaphore, #tpu.memory_space<semaphore_mem>>)
      %dma_wait3A_127 = arith.constant 0 : i32
      %dma_wait3A_128 = tpu.memref_slice %arg15[%add3A_39, %dma_wait3A_127] : memref<10000x8xf32, #tpu.memory_space<vmem_shared>> -> memref<64x8xf32, #tpu.memory_space<vmem_shared>>
      tpu.wait_dma2 semaphore(%run_scoped3A_124 : memref<!tpu.dma_semaphore, #tpu.memory_space<semaphore_mem>>) src(%arg6 : memref<64x8xf32, #tpu.memory_space<hbm>>) dst(%dma_wait3A_128 : memref<64x8xf32, #tpu.memory_space<vmem_shared>>)
      tpu.yield
    }) : () -> ()
    %add3A_40 = arith.constant 512 : i32
    %add3A_41 = arith.addi %mul3A_7, %add3A_40 : i32
    "tpu.region"() ({
      %run_scoped3A_124 = tpu.sem_alloc : memref<!tpu.dma_semaphore, #tpu.memory_space<semaphore_mem>>
      %dma_start3A_125 = arith.constant 0 : i32
      %dma_start3A_126 = tpu.memref_slice %arg14[%add3A_41, %dma_start3A_125] : memref<10000x128xbf16, #tpu.memory_space<vmem_shared>> -> memref<64x128xbf16, #tpu.memory_space<vmem_shared>>
      tpu.enqueue_dma source(%arg5 : memref<64x128xbf16, #tpu.memory_space<hbm>>) target(%dma_start3A_126 : memref<64x128xbf16, #tpu.memory_space<vmem_shared>>) target_semaphore(%run_scoped3A_124 : memref<!tpu.dma_semaphore, #tpu.memory_space<semaphore_mem>>)
      %dma_wait3A_127 = arith.constant 0 : i32
      %dma_wait3A_128 = tpu.memref_slice %arg14[%add3A_41, %dma_wait3A_127] : memref<10000x128xbf16, #tpu.memory_space<vmem_shared>> -> memref<64x128xbf16, #tpu.memory_space<vmem_shared>>
      tpu.wait_dma2 semaphore(%run_scoped3A_124 : memref<!tpu.dma_semaphore, #tpu.memory_space<semaphore_mem>>) src(%arg5 : memref<64x128xbf16, #tpu.memory_space<hbm>>) dst(%dma_wait3A_128 : memref<64x128xbf16, #tpu.memory_space<vmem_shared>>)
      tpu.yield
    }) : () -> ()
    %add3A_42 = arith.constant 512 : i32
    %add3A_43 = arith.addi %mul3A_7, %add3A_42 : i32
    "tpu.region"() ({
      %run_scoped3A_124 = tpu.sem_alloc : memref<!tpu.dma_semaphore, #tpu.memory_space<semaphore_mem>>
      %dma_start3A_125 = arith.constant 0 : i32
      %dma_start3A_126 = tpu.memref_slice %arg15[%add3A_43, %dma_start3A_125] : memref<10000x8xf32, #tpu.memory_space<vmem_shared>> -> memref<64x8xf32, #tpu.memory_space<vmem_shared>>
      tpu.enqueue_dma source(%arg6 : memref<64x8xf32, #tpu.memory_space<hbm>>) target(%dma_start3A_126 : memref<64x8xf32, #tpu.memory_space<vmem_shared>>) target_semaphore(%run_scoped3A_124 : memref<!tpu.dma_semaphore, #tpu.memory_space<semaphore_mem>>)
      %dma_wait3A_127 = arith.constant 0 : i32
      %dma_wait3A_128 = tpu.memref_slice %arg15[%add3A_43, %dma_wait3A_127] : memref<10000x8xf32, #tpu.memory_space<vmem_shared>> -> memref<64x8xf32, #tpu.memory_space<vmem_shared>>
      tpu.wait_dma2 semaphore(%run_scoped3A_124 : memref<!tpu.dma_semaphore, #tpu.memory_space<semaphore_mem>>) src(%arg6 : memref<64x8xf32, #tpu.memory_space<hbm>>) dst(%dma_wait3A_128 : memref<64x8xf32, #tpu.memory_space<vmem_shared>>)
      tpu.yield
    }) : () -> ()
    %add3A_44 = arith.constant 576 : i32
    %add3A_45 = arith.addi %mul3A_7, %add3A_44 : i32
    "tpu.region"() ({
      %run_scoped3A_124 = tpu.sem_alloc : memref<!tpu.dma_semaphore, #tpu.memory_space<semaphore_mem>>
      %dma_start3A_125 = arith.constant 0 : i32
      %dma_start3A_126 = tpu.memref_slice %arg14[%add3A_45, %dma_start3A_125] : memref<10000x128xbf16, #tpu.memory_space<vmem_shared>> -> memref<49x128xbf16, #tpu.memory_space<vmem_shared>>
      %dma_start3A_127 = arith.constant 0 : i32
      %dma_start3A_128 = arith.constant 0 : i32
      %dma_start3A_129 = tpu.memref_slice %arg5[%dma_start3A_127, %dma_start3A_128] : memref<64x128xbf16, #tpu.memory_space<hbm>> -> memref<49x128xbf16, #tpu.memory_space<hbm>>
      tpu.enqueue_dma source(%dma_start3A_129 : memref<49x128xbf16, #tpu.memory_space<hbm>>) target(%dma_start3A_126 : memref<49x128xbf16, #tpu.memory_space<vmem_shared>>) target_semaphore(%run_scoped3A_124 : memref<!tpu.dma_semaphore, #tpu.memory_space<semaphore_mem>>)
      %dma_wait3A_130 = arith.constant 0 : i32
      %dma_wait3A_131 = tpu.memref_slice %arg14[%add3A_45, %dma_wait3A_130] : memref<10000x128xbf16, #tpu.memory_space<vmem_shared>> -> memref<49x128xbf16, #tpu.memory_space<vmem_shared>>
      %dma_wait3A_132 = arith.constant 0 : i32
      %dma_wait3A_133 = arith.constant 0 : i32
      %dma_wait3A_134 = tpu.memref_slice %arg5[%dma_wait3A_132, %dma_wait3A_133] : memref<64x128xbf16, #tpu.memory_space<hbm>> -> memref<49x128xbf16, #tpu.memory_space<hbm>>
      tpu.wait_dma2 semaphore(%run_scoped3A_124 : memref<!tpu.dma_semaphore, #tpu.memory_space<semaphore_mem>>) src(%dma_wait3A_134 : memref<49x128xbf16, #tpu.memory_space<hbm>>) dst(%dma_wait3A_131 : memref<49x128xbf16, #tpu.memory_space<vmem_shared>>)
      tpu.yield
    }) : () -> ()
    %add3A_46 = arith.constant 576 : i32
    %add3A_47 = arith.addi %mul3A_7, %add3A_46 : i32
    "tpu.region"() ({
      %run_scoped3A_124 = tpu.sem_alloc : memref<!tpu.dma_semaphore, #tpu.memory_space<semaphore_mem>>
      %dma_start3A_125 = arith.constant 0 : i32
      %dma_start3A_126 = tpu.memref_slice %arg15[%add3A_47, %dma_start3A_125] : memref<10000x8xf32, #tpu.memory_space<vmem_shared>> -> memref<49x8xf32, #tpu.memory_space<vmem_shared>>
      %dma_start3A_127 = arith.constant 0 : i32
      %dma_start3A_128 = arith.constant 0 : i32
      %dma_start3A_129 = tpu.memref_slice %arg6[%dma_start3A_127, %dma_start3A_128] : memref<64x8xf32, #tpu.memory_space<hbm>> -> memref<49x8xf32, #tpu.memory_space<hbm>>
      tpu.enqueue_dma source(%dma_start3A_129 : memref<49x8xf32, #tpu.memory_space<hbm>>) target(%dma_start3A_126 : memref<49x8xf32, #tpu.memory_space<vmem_shared>>) target_semaphore(%run_scoped3A_124 : memref<!tpu.dma_semaphore, #tpu.memory_space<semaphore_mem>>)
      %dma_wait3A_130 = arith.constant 0 : i32
      %dma_wait3A_131 = tpu.memref_slice %arg15[%add3A_47, %dma_wait3A_130] : memref<10000x8xf32, #tpu.memory_space<vmem_shared>> -> memref<49x8xf32, #tpu.memory_space<vmem_shared>>
      %dma_wait3A_132 = arith.constant 0 : i32
      %dma_wait3A_133 = arith.constant 0 : i32
      %dma_wait3A_134 = tpu.memref_slice %arg6[%dma_wait3A_132, %dma_wait3A_133] : memref<64x8xf32, #tpu.memory_space<hbm>> -> memref<49x8xf32, #tpu.memory_space<hbm>>
      tpu.wait_dma2 semaphore(%run_scoped3A_124 : memref<!tpu.dma_semaphore, #tpu.memory_space<semaphore_mem>>) src(%dma_wait3A_134 : memref<49x8xf32, #tpu.memory_space<hbm>>) dst(%dma_wait3A_131 : memref<49x8xf32, #tpu.memory_space<vmem_shared>>)
      tpu.yield
    }) : () -> ()
    %barrier3A = arith.constant 0 : index
    tpu.barrier barrier_id(%barrier3A)
    %dma_start3A = arith.constant 0 : i32
    %dma_start3A_48 = tpu.memref_slice %arg10[%dma_start3A] : memref<10000xi32, #tpu.memory_space<vmem>> -> memref<128xi32, #tpu.memory_space<vmem>>
    %dma_start3A_49 = arith.constant 0 : i32
    %dma_start3A_50 = arith.constant 0 : i32
    %dma_start3A_51 = tpu.memref_slice %arg2[%dma_start3A_49, %dma_start3A_50] : memref<10000x128xbf16, #tpu.memory_space<hbm>> -> memref<10000x128xbf16, #tpu.memory_space<hbm>>
    tpu.enqueue_indirect_dma source(%dma_start3A_51 : memref<10000x128xbf16, #tpu.memory_space<hbm>>) target(%arg11 : memref<128x128xbf16, #tpu.memory_space<vmem>>) offsets(%dma_start3A_48 : memref<128xi32, #tpu.memory_space<vmem>>) semaphore(%arg16 : memref<!tpu.dma_semaphore, #tpu.memory_space<semaphore_mem>>)
    %dma_start3A_52 = arith.constant 128 : i32
    %dma_start3A_53 = tpu.memref_slice %arg10[%dma_start3A_52] : memref<10000xi32, #tpu.memory_space<vmem>> -> memref<128xi32, #tpu.memory_space<vmem>>
    %dma_start3A_54 = arith.constant 0 : i32
    %dma_start3A_55 = arith.constant 0 : i32
    %dma_start3A_56 = tpu.memref_slice %arg2[%dma_start3A_54, %dma_start3A_55] : memref<10000x128xbf16, #tpu.memory_space<hbm>> -> memref<10000x128xbf16, #tpu.memory_space<hbm>>
    tpu.enqueue_indirect_dma source(%dma_start3A_56 : memref<10000x128xbf16, #tpu.memory_space<hbm>>) target(%arg12 : memref<128x128xbf16, #tpu.memory_space<vmem>>) offsets(%dma_start3A_53 : memref<128xi32, #tpu.memory_space<vmem>>) semaphore(%arg17 : memref<!tpu.dma_semaphore, #tpu.memory_space<semaphore_mem>>)
    %scan3A = arith.constant 0 : i32
    %scan3A_57 = arith.constant 0 : i32
    %scan3A_58 = arith.constant 38 : i32
    %scan3A_59 = arith.addi %scan3A_57, %scan3A_58 : i32
    %scan3A_60 = arith.constant 1 : i32
    scf.for %scan3A_124 = %scan3A_57 to %scan3A_59 step %scan3A_60  : i32 {
      %mul3A_125 = arith.constant 2 : i32
      %mul3A_126 = arith.muli %mul3A_125, %scan3A_124 : i32
      %mul3A_127 = arith.constant 128 : i32
      %mul3A_128 = arith.muli %mul3A_126, %mul3A_127 : i32
      %dma_wait3A_129 = tpu.memref_slice %arg10[%mul3A_128] : memref<10000xi32, #tpu.memory_space<vmem>> -> memref<128xi32, #tpu.memory_space<vmem>>
      %dma_wait3A_130 = arith.constant 0 : i32
      %dma_wait3A_131 = arith.constant 0 : i32
      %dma_wait3A_132 = tpu.memref_slice %arg2[%dma_wait3A_130, %dma_wait3A_131] : memref<10000x128xbf16, #tpu.memory_space<hbm>> -> memref<10000x128xbf16, #tpu.memory_space<hbm>>
      tpu.wait_indirect_dma semaphore(%arg16 : memref<!tpu.dma_semaphore, #tpu.memory_space<semaphore_mem>>) src(%dma_wait3A_132 : memref<10000x128xbf16, #tpu.memory_space<hbm>>) dst(%arg11 : memref<128x128xbf16, #tpu.memory_space<vmem>>)
      %mul3A_133 = arith.constant 128 : i32
      %mul3A_134 = arith.muli %mul3A_126, %mul3A_133 : i32
      %dma_start3A_135 = tpu.memref_slice %arg9[%mul3A_134] : memref<10000xi32, #tpu.memory_space<vmem>> -> memref<128xi32, #tpu.memory_space<vmem>>
      %dma_start3A_136 = arith.constant 0 : i32
      %dma_start3A_137 = arith.constant 0 : i32
      %dma_start3A_138 = tpu.memref_slice %arg15[%dma_start3A_136, %dma_start3A_137] : memref<10000x8xf32, #tpu.memory_space<vmem_shared>> -> memref<10000x8xf32, #tpu.memory_space<vmem_shared>>
      tpu.enqueue_indirect_dma source(%arg13 : memref<128x8xf32, #tpu.memory_space<vmem>>) target(%dma_start3A_138 : memref<10000x8xf32, #tpu.memory_space<vmem_shared>>) offsets(%dma_start3A_135 : memref<128xi32, #tpu.memory_space<vmem>>) semaphore(%arg18 : memref<!tpu.dma_semaphore, #tpu.memory_space<semaphore_mem>>) {add = true}
      %mul3A_139 = arith.constant 128 : i32
      %mul3A_140 = arith.muli %mul3A_126, %mul3A_139 : i32
      "tpu.region"() ({
        %run_scoped3A_181 = tpu.sem_alloc : memref<!tpu.dma_semaphore, #tpu.memory_space<semaphore_mem>>
        %dma_start3A_182 = tpu.memref_slice %arg9[%mul3A_140] : memref<10000xi32, #tpu.memory_space<vmem>> -> memref<128xi32, #tpu.memory_space<vmem>>
        %dma_start3A_183 = arith.constant 0 : i32
        %dma_start3A_184 = arith.constant 0 : i32
        %dma_start3A_185 = tpu.memref_slice %arg14[%dma_start3A_183, %dma_start3A_184] : memref<10000x128xbf16, #tpu.memory_space<vmem_shared>> -> memref<10000x128xbf16, #tpu.memory_space<vmem_shared>>
        tpu.enqueue_indirect_dma source(%arg11 : memref<128x128xbf16, #tpu.memory_space<vmem>>) target(%dma_start3A_185 : memref<10000x128xbf16, #tpu.memory_space<vmem_shared>>) offsets(%dma_start3A_182 : memref<128xi32, #tpu.memory_space<vmem>>) semaphore(%run_scoped3A_181 : memref<!tpu.dma_semaphore, #tpu.memory_space<semaphore_mem>>) {add = true}
        %dma_wait3A_186 = tpu.memref_slice %arg9[%mul3A_140] : memref<10000xi32, #tpu.memory_space<vmem>> -> memref<128xi32, #tpu.memory_space<vmem>>
        %dma_wait3A_187 = arith.constant 0 : i32
        %dma_wait3A_188 = arith.constant 0 : i32
        %dma_wait3A_189 = tpu.memref_slice %arg14[%dma_wait3A_187, %dma_wait3A_188] : memref<10000x128xbf16, #tpu.memory_space<vmem_shared>> -> memref<10000x128xbf16, #tpu.memory_space<vmem_shared>>
        tpu.wait_indirect_dma semaphore(%run_scoped3A_181 : memref<!tpu.dma_semaphore, #tpu.memory_space<semaphore_mem>>) src(%arg11 : memref<128x128xbf16, #tpu.memory_space<vmem>>) dst(%dma_wait3A_189 : memref<10000x128xbf16, #tpu.memory_space<vmem_shared>>)
        tpu.yield
      }) : () -> ()
      %dma_wait3A_141 = tpu.memref_slice %arg9[%mul3A_134] : memref<10000xi32, #tpu.memory_space<vmem>> -> memref<128xi32, #tpu.memory_space<vmem>>
      %dma_wait3A_142 = arith.constant 0 : i32
      %dma_wait3A_143 = arith.constant 0 : i32
      %dma_wait3A_144 = tpu.memref_slice %arg15[%dma_wait3A_142, %dma_wait3A_143] : memref<10000x8xf32, #tpu.memory_space<vmem_shared>> -> memref<10000x8xf32, #tpu.memory_space<vmem_shared>>
      tpu.wait_indirect_dma semaphore(%arg18 : memref<!tpu.dma_semaphore, #tpu.memory_space<semaphore_mem>>) src(%arg13 : memref<128x8xf32, #tpu.memory_space<vmem>>) dst(%dma_wait3A_144 : memref<10000x8xf32, #tpu.memory_space<vmem_shared>>)
      %add3A_145 = arith.constant 2 : i32
      %add3A_146 = arith.addi %mul3A_126, %add3A_145 : i32
      %mul3A_147 = arith.constant 128 : i32
      %mul3A_148 = arith.muli %add3A_146, %mul3A_147 : i32
      %dma_start3A_149 = tpu.memref_slice %arg10[%mul3A_148] : memref<10000xi32, #tpu.memory_space<vmem>> -> memref<128xi32, #tpu.memory_space<vmem>>
      %dma_start3A_150 = arith.constant 0 : i32
      %dma_start3A_151 = arith.constant 0 : i32
      %dma_start3A_152 = tpu.memref_slice %arg2[%dma_start3A_150, %dma_start3A_151] : memref<10000x128xbf16, #tpu.memory_space<hbm>> -> memref<10000x128xbf16, #tpu.memory_space<hbm>>
      tpu.enqueue_indirect_dma source(%dma_start3A_152 : memref<10000x128xbf16, #tpu.memory_space<hbm>>) target(%arg11 : memref<128x128xbf16, #tpu.memory_space<vmem>>) offsets(%dma_start3A_149 : memref<128xi32, #tpu.memory_space<vmem>>) semaphore(%arg16 : memref<!tpu.dma_semaphore, #tpu.memory_space<semaphore_mem>>)
      %add3A_153 = arith.constant 1 : i32
      %add3A_154 = arith.addi %mul3A_126, %add3A_153 : i32
      %mul3A_155 = arith.constant 128 : i32
      %mul3A_156 = arith.muli %add3A_154, %mul3A_155 : i32
      %dma_wait3A_157 = tpu.memref_slice %arg10[%mul3A_156] : memref<10000xi32, #tpu.memory_space<vmem>> -> memref<128xi32, #tpu.memory_space<vmem>>
      %dma_wait3A_158 = arith.constant 0 : i32
      %dma_wait3A_159 = arith.constant 0 : i32
      %dma_wait3A_160 = tpu.memref_slice %arg2[%dma_wait3A_158, %dma_wait3A_159] : memref<10000x128xbf16, #tpu.memory_space<hbm>> -> memref<10000x128xbf16, #tpu.memory_space<hbm>>
      tpu.wait_indirect_dma semaphore(%arg17 : memref<!tpu.dma_semaphore, #tpu.memory_space<semaphore_mem>>) src(%dma_wait3A_160 : memref<10000x128xbf16, #tpu.memory_space<hbm>>) dst(%arg12 : memref<128x128xbf16, #tpu.memory_space<vmem>>)
      %mul3A_161 = arith.constant 128 : i32
      %mul3A_162 = arith.muli %add3A_154, %mul3A_161 : i32
      %dma_start3A_163 = tpu.memref_slice %arg9[%mul3A_162] : memref<10000xi32, #tpu.memory_space<vmem>> -> memref<128xi32, #tpu.memory_space<vmem>>
      %dma_start3A_164 = arith.constant 0 : i32
      %dma_start3A_165 = arith.constant 0 : i32
      %dma_start3A_166 = tpu.memref_slice %arg15[%dma_start3A_164, %dma_start3A_165] : memref<10000x8xf32, #tpu.memory_space<vmem_shared>> -> memref<10000x8xf32, #tpu.memory_space<vmem_shared>>
      tpu.enqueue_indirect_dma source(%arg13 : memref<128x8xf32, #tpu.memory_space<vmem>>) target(%dma_start3A_166 : memref<10000x8xf32, #tpu.memory_space<vmem_shared>>) offsets(%dma_start3A_163 : memref<128xi32, #tpu.memory_space<vmem>>) semaphore(%arg18 : memref<!tpu.dma_semaphore, #tpu.memory_space<semaphore_mem>>) {add = true}
      %mul3A_167 = arith.constant 128 : i32
      %mul3A_168 = arith.muli %add3A_154, %mul3A_167 : i32
      "tpu.region"() ({
        %run_scoped3A_181 = tpu.sem_alloc : memref<!tpu.dma_semaphore, #tpu.memory_space<semaphore_mem>>
        %dma_start3A_182 = tpu.memref_slice %arg9[%mul3A_168] : memref<10000xi32, #tpu.memory_space<vmem>> -> memref<128xi32, #tpu.memory_space<vmem>>
        %dma_start3A_183 = arith.constant 0 : i32
        %dma_start3A_184 = arith.constant 0 : i32
        %dma_start3A_185 = tpu.memref_slice %arg14[%dma_start3A_183, %dma_start3A_184] : memref<10000x128xbf16, #tpu.memory_space<vmem_shared>> -> memref<10000x128xbf16, #tpu.memory_space<vmem_shared>>
        tpu.enqueue_indirect_dma source(%arg12 : memref<128x128xbf16, #tpu.memory_space<vmem>>) target(%dma_start3A_185 : memref<10000x128xbf16, #tpu.memory_space<vmem_shared>>) offsets(%dma_start3A_182 : memref<128xi32, #tpu.memory_space<vmem>>) semaphore(%run_scoped3A_181 : memref<!tpu.dma_semaphore, #tpu.memory_space<semaphore_mem>>) {add = true}
        %dma_wait3A_186 = tpu.memref_slice %arg9[%mul3A_168] : memref<10000xi32, #tpu.memory_space<vmem>> -> memref<128xi32, #tpu.memory_space<vmem>>
        %dma_wait3A_187 = arith.constant 0 : i32
        %dma_wait3A_188 = arith.constant 0 : i32
        %dma_wait3A_189 = tpu.memref_slice %arg14[%dma_wait3A_187, %dma_wait3A_188] : memref<10000x128xbf16, #tpu.memory_space<vmem_shared>> -> memref<10000x128xbf16, #tpu.memory_space<vmem_shared>>
        tpu.wait_indirect_dma semaphore(%run_scoped3A_181 : memref<!tpu.dma_semaphore, #tpu.memory_space<semaphore_mem>>) src(%arg12 : memref<128x128xbf16, #tpu.memory_space<vmem>>) dst(%dma_wait3A_189 : memref<10000x128xbf16, #tpu.memory_space<vmem_shared>>)
        tpu.yield
      }) : () -> ()
      %dma_wait3A_169 = tpu.memref_slice %arg9[%mul3A_162] : memref<10000xi32, #tpu.memory_space<vmem>> -> memref<128xi32, #tpu.memory_space<vmem>>
      %dma_wait3A_170 = arith.constant 0 : i32
      %dma_wait3A_171 = arith.constant 0 : i32
      %dma_wait3A_172 = tpu.memref_slice %arg15[%dma_wait3A_170, %dma_wait3A_171] : memref<10000x8xf32, #tpu.memory_space<vmem_shared>> -> memref<10000x8xf32, #tpu.memory_space<vmem_shared>>
      tpu.wait_indirect_dma semaphore(%arg18 : memref<!tpu.dma_semaphore, #tpu.memory_space<semaphore_mem>>) src(%arg13 : memref<128x8xf32, #tpu.memory_space<vmem>>) dst(%dma_wait3A_172 : memref<10000x8xf32, #tpu.memory_space<vmem_shared>>)
      %add3A_173 = arith.constant 3 : i32
      %add3A_174 = arith.addi %mul3A_126, %add3A_173 : i32
      %mul3A_175 = arith.constant 128 : i32
      %mul3A_176 = arith.muli %add3A_174, %mul3A_175 : i32
      %dma_start3A_177 = tpu.memref_slice %arg10[%mul3A_176] : memref<10000xi32, #tpu.memory_space<vmem>> -> memref<128xi32, #tpu.memory_space<vmem>>
      %dma_start3A_178 = arith.constant 0 : i32
      %dma_start3A_179 = arith.constant 0 : i32
      %dma_start3A_180 = tpu.memref_slice %arg2[%dma_start3A_178, %dma_start3A_179] : memref<10000x128xbf16, #tpu.memory_space<hbm>> -> memref<10000x128xbf16, #tpu.memory_space<hbm>>
      tpu.enqueue_indirect_dma source(%dma_start3A_180 : memref<10000x128xbf16, #tpu.memory_space<hbm>>) target(%arg12 : memref<128x128xbf16, #tpu.memory_space<vmem>>) offsets(%dma_start3A_177 : memref<128xi32, #tpu.memory_space<vmem>>) semaphore(%arg17 : memref<!tpu.dma_semaphore, #tpu.memory_space<semaphore_mem>>)
    }
    %scan3A_61 = arith.constant 38 : i32
    %dma_wait3A = arith.constant 9728 : i32
    %dma_wait3A_62 = tpu.memref_slice %arg10[%dma_wait3A] : memref<10000xi32, #tpu.memory_space<vmem>> -> memref<128xi32, #tpu.memory_space<vmem>>
    %dma_wait3A_63 = arith.constant 0 : i32
    %dma_wait3A_64 = arith.constant 0 : i32
    %dma_wait3A_65 = tpu.memref_slice %arg2[%dma_wait3A_63, %dma_wait3A_64] : memref<10000x128xbf16, #tpu.memory_space<hbm>> -> memref<10000x128xbf16, #tpu.memory_space<hbm>>
    tpu.wait_indirect_dma semaphore(%arg16 : memref<!tpu.dma_semaphore, #tpu.memory_space<semaphore_mem>>) src(%dma_wait3A_65 : memref<10000x128xbf16, #tpu.memory_space<hbm>>) dst(%arg11 : memref<128x128xbf16, #tpu.memory_space<vmem>>)
    %dma_start3A_66 = arith.constant 9728 : i32
    %dma_start3A_67 = tpu.memref_slice %arg9[%dma_start3A_66] : memref<10000xi32, #tpu.memory_space<vmem>> -> memref<128xi32, #tpu.memory_space<vmem>>
    %dma_start3A_68 = arith.constant 0 : i32
    %dma_start3A_69 = arith.constant 0 : i32
    %dma_start3A_70 = tpu.memref_slice %arg15[%dma_start3A_68, %dma_start3A_69] : memref<10000x8xf32, #tpu.memory_space<vmem_shared>> -> memref<10000x8xf32, #tpu.memory_space<vmem_shared>>
    tpu.enqueue_indirect_dma source(%arg13 : memref<128x8xf32, #tpu.memory_space<vmem>>) target(%dma_start3A_70 : memref<10000x8xf32, #tpu.memory_space<vmem_shared>>) offsets(%dma_start3A_67 : memref<128xi32, #tpu.memory_space<vmem>>) semaphore(%arg18 : memref<!tpu.dma_semaphore, #tpu.memory_space<semaphore_mem>>) {add = true}
    "tpu.region"() ({
      %run_scoped3A_124 = tpu.sem_alloc : memref<!tpu.dma_semaphore, #tpu.memory_space<semaphore_mem>>
      %dma_start3A_125 = arith.constant 9728 : i32
      %dma_start3A_126 = tpu.memref_slice %arg9[%dma_start3A_125] : memref<10000xi32, #tpu.memory_space<vmem>> -> memref<128xi32, #tpu.memory_space<vmem>>
      %dma_start3A_127 = arith.constant 0 : i32
      %dma_start3A_128 = arith.constant 0 : i32
      %dma_start3A_129 = tpu.memref_slice %arg14[%dma_start3A_127, %dma_start3A_128] : memref<10000x128xbf16, #tpu.memory_space<vmem_shared>> -> memref<10000x128xbf16, #tpu.memory_space<vmem_shared>>
      tpu.enqueue_indirect_dma source(%arg11 : memref<128x128xbf16, #tpu.memory_space<vmem>>) target(%dma_start3A_129 : memref<10000x128xbf16, #tpu.memory_space<vmem_shared>>) offsets(%dma_start3A_126 : memref<128xi32, #tpu.memory_space<vmem>>) semaphore(%run_scoped3A_124 : memref<!tpu.dma_semaphore, #tpu.memory_space<semaphore_mem>>) {add = true}
      %dma_wait3A_130 = arith.constant 9728 : i32
      %dma_wait3A_131 = tpu.memref_slice %arg9[%dma_wait3A_130] : memref<10000xi32, #tpu.memory_space<vmem>> -> memref<128xi32, #tpu.memory_space<vmem>>
      %dma_wait3A_132 = arith.constant 0 : i32
      %dma_wait3A_133 = arith.constant 0 : i32
      %dma_wait3A_134 = tpu.memref_slice %arg14[%dma_wait3A_132, %dma_wait3A_133] : memref<10000x128xbf16, #tpu.memory_space<vmem_shared>> -> memref<10000x128xbf16, #tpu.memory_space<vmem_shared>>
      tpu.wait_indirect_dma semaphore(%run_scoped3A_124 : memref<!tpu.dma_semaphore, #tpu.memory_space<semaphore_mem>>) src(%arg11 : memref<128x128xbf16, #tpu.memory_space<vmem>>) dst(%dma_wait3A_134 : memref<10000x128xbf16, #tpu.memory_space<vmem_shared>>)
      tpu.yield
    }) : () -> ()
    %dma_wait3A_71 = arith.constant 9728 : i32
    %dma_wait3A_72 = tpu.memref_slice %arg9[%dma_wait3A_71] : memref<10000xi32, #tpu.memory_space<vmem>> -> memref<128xi32, #tpu.memory_space<vmem>>
    %dma_wait3A_73 = arith.constant 0 : i32
    %dma_wait3A_74 = arith.constant 0 : i32
    %dma_wait3A_75 = tpu.memref_slice %arg15[%dma_wait3A_73, %dma_wait3A_74] : memref<10000x8xf32, #tpu.memory_space<vmem_shared>> -> memref<10000x8xf32, #tpu.memory_space<vmem_shared>>
    tpu.wait_indirect_dma semaphore(%arg18 : memref<!tpu.dma_semaphore, #tpu.memory_space<semaphore_mem>>) src(%arg13 : memref<128x8xf32, #tpu.memory_space<vmem>>) dst(%dma_wait3A_75 : memref<10000x8xf32, #tpu.memory_space<vmem_shared>>)
    %dma_start3A_76 = arith.constant 0 : i32
    %dma_start3A_77 = arith.constant 0 : i32
    %dma_start3A_78 = tpu.memref_slice %arg11[%dma_start3A_76, %dma_start3A_77] : memref<128x128xbf16, #tpu.memory_space<vmem>> -> memref<16x128xbf16, #tpu.memory_space<vmem>>
    %dma_start3A_79 = arith.constant 9984 : i32
    %dma_start3A_80 = tpu.memref_slice %arg10[%dma_start3A_79] : memref<10000xi32, #tpu.memory_space<vmem>> -> memref<16xi32, #tpu.memory_space<vmem>>
    %dma_start3A_81 = arith.constant 0 : i32
    %dma_start3A_82 = arith.constant 0 : i32
    %dma_start3A_83 = tpu.memref_slice %arg2[%dma_start3A_81, %dma_start3A_82] : memref<10000x128xbf16, #tpu.memory_space<hbm>> -> memref<10000x128xbf16, #tpu.memory_space<hbm>>
    tpu.enqueue_indirect_dma source(%dma_start3A_83 : memref<10000x128xbf16, #tpu.memory_space<hbm>>) target(%dma_start3A_78 : memref<16x128xbf16, #tpu.memory_space<vmem>>) offsets(%dma_start3A_80 : memref<16xi32, #tpu.memory_space<vmem>>) semaphore(%arg16 : memref<!tpu.dma_semaphore, #tpu.memory_space<semaphore_mem>>)
    %dma_wait3A_84 = arith.constant 9856 : i32
    %dma_wait3A_85 = tpu.memref_slice %arg10[%dma_wait3A_84] : memref<10000xi32, #tpu.memory_space<vmem>> -> memref<128xi32, #tpu.memory_space<vmem>>
    %dma_wait3A_86 = arith.constant 0 : i32
    %dma_wait3A_87 = arith.constant 0 : i32
    %dma_wait3A_88 = tpu.memref_slice %arg2[%dma_wait3A_86, %dma_wait3A_87] : memref<10000x128xbf16, #tpu.memory_space<hbm>> -> memref<10000x128xbf16, #tpu.memory_space<hbm>>
    tpu.wait_indirect_dma semaphore(%arg17 : memref<!tpu.dma_semaphore, #tpu.memory_space<semaphore_mem>>) src(%dma_wait3A_88 : memref<10000x128xbf16, #tpu.memory_space<hbm>>) dst(%arg12 : memref<128x128xbf16, #tpu.memory_space<vmem>>)
    %dma_start3A_89 = arith.constant 9856 : i32
    %dma_start3A_90 = tpu.memref_slice %arg9[%dma_start3A_89] : memref<10000xi32, #tpu.memory_space<vmem>> -> memref<128xi32, #tpu.memory_space<vmem>>
    %dma_start3A_91 = arith.constant 0 : i32
    %dma_start3A_92 = arith.constant 0 : i32
    %dma_start3A_93 = tpu.memref_slice %arg15[%dma_start3A_91, %dma_start3A_92] : memref<10000x8xf32, #tpu.memory_space<vmem_shared>> -> memref<10000x8xf32, #tpu.memory_space<vmem_shared>>
    tpu.enqueue_indirect_dma source(%arg13 : memref<128x8xf32, #tpu.memory_space<vmem>>) target(%dma_start3A_93 : memref<10000x8xf32, #tpu.memory_space<vmem_shared>>) offsets(%dma_start3A_90 : memref<128xi32, #tpu.memory_space<vmem>>) semaphore(%arg18 : memref<!tpu.dma_semaphore, #tpu.memory_space<semaphore_mem>>) {add = true}
    "tpu.region"() ({
      %run_scoped3A_124 = tpu.sem_alloc : memref<!tpu.dma_semaphore, #tpu.memory_space<semaphore_mem>>
      %dma_start3A_125 = arith.constant 9856 : i32
      %dma_start3A_126 = tpu.memref_slice %arg9[%dma_start3A_125] : memref<10000xi32, #tpu.memory_space<vmem>> -> memref<128xi32, #tpu.memory_space<vmem>>
      %dma_start3A_127 = arith.constant 0 : i32
      %dma_start3A_128 = arith.constant 0 : i32
      %dma_start3A_129 = tpu.memref_slice %arg14[%dma_start3A_127, %dma_start3A_128] : memref<10000x128xbf16, #tpu.memory_space<vmem_shared>> -> memref<10000x128xbf16, #tpu.memory_space<vmem_shared>>
      tpu.enqueue_indirect_dma source(%arg12 : memref<128x128xbf16, #tpu.memory_space<vmem>>) target(%dma_start3A_129 : memref<10000x128xbf16, #tpu.memory_space<vmem_shared>>) offsets(%dma_start3A_126 : memref<128xi32, #tpu.memory_space<vmem>>) semaphore(%run_scoped3A_124 : memref<!tpu.dma_semaphore, #tpu.memory_space<semaphore_mem>>) {add = true}
      %dma_wait3A_130 = arith.constant 9856 : i32
      %dma_wait3A_131 = tpu.memref_slice %arg9[%dma_wait3A_130] : memref<10000xi32, #tpu.memory_space<vmem>> -> memref<128xi32, #tpu.memory_space<vmem>>
      %dma_wait3A_132 = arith.constant 0 : i32
      %dma_wait3A_133 = arith.constant 0 : i32
      %dma_wait3A_134 = tpu.memref_slice %arg14[%dma_wait3A_132, %dma_wait3A_133] : memref<10000x128xbf16, #tpu.memory_space<vmem_shared>> -> memref<10000x128xbf16, #tpu.memory_space<vmem_shared>>
      tpu.wait_indirect_dma semaphore(%run_scoped3A_124 : memref<!tpu.dma_semaphore, #tpu.memory_space<semaphore_mem>>) src(%arg12 : memref<128x128xbf16, #tpu.memory_space<vmem>>) dst(%dma_wait3A_134 : memref<10000x128xbf16, #tpu.memory_space<vmem_shared>>)
      tpu.yield
    }) : () -> ()
    %dma_wait3A_94 = arith.constant 9856 : i32
    %dma_wait3A_95 = tpu.memref_slice %arg9[%dma_wait3A_94] : memref<10000xi32, #tpu.memory_space<vmem>> -> memref<128xi32, #tpu.memory_space<vmem>>
    %dma_wait3A_96 = arith.constant 0 : i32
    %dma_wait3A_97 = arith.constant 0 : i32
    %dma_wait3A_98 = tpu.memref_slice %arg15[%dma_wait3A_96, %dma_wait3A_97] : memref<10000x8xf32, #tpu.memory_space<vmem_shared>> -> memref<10000x8xf32, #tpu.memory_space<vmem_shared>>
    tpu.wait_indirect_dma semaphore(%arg18 : memref<!tpu.dma_semaphore, #tpu.memory_space<semaphore_mem>>) src(%arg13 : memref<128x8xf32, #tpu.memory_space<vmem>>) dst(%dma_wait3A_98 : memref<10000x8xf32, #tpu.memory_space<vmem_shared>>)
    %dma_wait3A_99 = arith.constant 0 : i32
    %dma_wait3A_100 = arith.constant 0 : i32
    %dma_wait3A_101 = tpu.memref_slice %arg11[%dma_wait3A_99, %dma_wait3A_100] : memref<128x128xbf16, #tpu.memory_space<vmem>> -> memref<16x128xbf16, #tpu.memory_space<vmem>>
    %dma_wait3A_102 = arith.constant 9984 : i32
    %dma_wait3A_103 = tpu.memref_slice %arg10[%dma_wait3A_102] : memref<10000xi32, #tpu.memory_space<vmem>> -> memref<16xi32, #tpu.memory_space<vmem>>
    %dma_wait3A_104 = arith.constant 0 : i32
    %dma_wait3A_105 = arith.constant 0 : i32
    %dma_wait3A_106 = tpu.memref_slice %arg2[%dma_wait3A_104, %dma_wait3A_105] : memref<10000x128xbf16, #tpu.memory_space<hbm>> -> memref<10000x128xbf16, #tpu.memory_space<hbm>>
    tpu.wait_indirect_dma semaphore(%arg16 : memref<!tpu.dma_semaphore, #tpu.memory_space<semaphore_mem>>) src(%dma_wait3A_106 : memref<10000x128xbf16, #tpu.memory_space<hbm>>) dst(%dma_wait3A_101 : memref<16x128xbf16, #tpu.memory_space<vmem>>)
    %dma_start3A_107 = arith.constant 0 : i32
    %dma_start3A_108 = arith.constant 0 : i32
    %dma_start3A_109 = tpu.memref_slice %arg13[%dma_start3A_107, %dma_start3A_108] : memref<128x8xf32, #tpu.memory_space<vmem>> -> memref<16x8xf32, #tpu.memory_space<vmem>>
    %dma_start3A_110 = arith.constant 9984 : i32
    %dma_start3A_111 = tpu.memref_slice %arg9[%dma_start3A_110] : memref<10000xi32, #tpu.memory_space<vmem>> -> memref<16xi32, #tpu.memory_space<vmem>>
    %dma_start3A_112 = arith.constant 0 : i32
    %dma_start3A_113 = arith.constant 0 : i32
    %dma_start3A_114 = tpu.memref_slice %arg15[%dma_start3A_112, %dma_start3A_113] : memref<10000x8xf32, #tpu.memory_space<vmem_shared>> -> memref<10000x8xf32, #tpu.memory_space<vmem_shared>>
    tpu.enqueue_indirect_dma source(%dma_start3A_109 : memref<16x8xf32, #tpu.memory_space<vmem>>) target(%dma_start3A_114 : memref<10000x8xf32, #tpu.memory_space<vmem_shared>>) offsets(%dma_start3A_111 : memref<16xi32, #tpu.memory_space<vmem>>) semaphore(%arg18 : memref<!tpu.dma_semaphore, #tpu.memory_space<semaphore_mem>>) {add = true}
    "tpu.region"() ({
      %run_scoped3A_124 = tpu.sem_alloc : memref<!tpu.dma_semaphore, #tpu.memory_space<semaphore_mem>>
      %dma_start3A_125 = arith.constant 0 : i32
      %dma_start3A_126 = arith.constant 0 : i32
      %dma_start3A_127 = tpu.memref_slice %arg11[%dma_start3A_125, %dma_start3A_126] : memref<128x128xbf16, #tpu.memory_space<vmem>> -> memref<16x128xbf16, #tpu.memory_space<vmem>>
      %dma_start3A_128 = arith.constant 9984 : i32
      %dma_start3A_129 = tpu.memref_slice %arg9[%dma_start3A_128] : memref<10000xi32, #tpu.memory_space<vmem>> -> memref<16xi32, #tpu.memory_space<vmem>>
      %dma_start3A_130 = arith.constant 0 : i32
      %dma_start3A_131 = arith.constant 0 : i32
      %dma_start3A_132 = tpu.memref_slice %arg14[%dma_start3A_130, %dma_start3A_131] : memref<10000x128xbf16, #tpu.memory_space<vmem_shared>> -> memref<10000x128xbf16, #tpu.memory_space<vmem_shared>>
      tpu.enqueue_indirect_dma source(%dma_start3A_127 : memref<16x128xbf16, #tpu.memory_space<vmem>>) target(%dma_start3A_132 : memref<10000x128xbf16, #tpu.memory_space<vmem_shared>>) offsets(%dma_start3A_129 : memref<16xi32, #tpu.memory_space<vmem>>) semaphore(%run_scoped3A_124 : memref<!tpu.dma_semaphore, #tpu.memory_space<semaphore_mem>>) {add = true}
      %dma_wait3A_133 = arith.constant 0 : i32
      %dma_wait3A_134 = arith.constant 0 : i32
      %dma_wait3A_135 = tpu.memref_slice %arg11[%dma_wait3A_133, %dma_wait3A_134] : memref<128x128xbf16, #tpu.memory_space<vmem>> -> memref<16x128xbf16, #tpu.memory_space<vmem>>
      %dma_wait3A_136 = arith.constant 9984 : i32
      %dma_wait3A_137 = tpu.memref_slice %arg9[%dma_wait3A_136] : memref<10000xi32, #tpu.memory_space<vmem>> -> memref<16xi32, #tpu.memory_space<vmem>>
      %dma_wait3A_138 = arith.constant 0 : i32
      %dma_wait3A_139 = arith.constant 0 : i32
      %dma_wait3A_140 = tpu.memref_slice %arg14[%dma_wait3A_138, %dma_wait3A_139] : memref<10000x128xbf16, #tpu.memory_space<vmem_shared>> -> memref<10000x128xbf16, #tpu.memory_space<vmem_shared>>
      tpu.wait_indirect_dma semaphore(%run_scoped3A_124 : memref<!tpu.dma_semaphore, #tpu.memory_space<semaphore_mem>>) src(%dma_wait3A_135 : memref<16x128xbf16, #tpu.memory_space<vmem>>) dst(%dma_wait3A_140 : memref<10000x128xbf16, #tpu.memory_space<vmem_shared>>)
      tpu.yield
    }) : () -> ()
    %dma_wait3A_115 = arith.constant 0 : i32
    %dma_wait3A_116 = arith.constant 0 : i32
    %dma_wait3A_117 = tpu.memref_slice %arg13[%dma_wait3A_115, %dma_wait3A_116] : memref<128x8xf32, #tpu.memory_space<vmem>> -> memref<16x8xf32, #tpu.memory_space<vmem>>
    %dma_wait3A_118 = arith.constant 9984 : i32
    %dma_wait3A_119 = tpu.memref_slice %arg9[%dma_wait3A_118] : memref<10000xi32, #tpu.memory_space<vmem>> -> memref<16xi32, #tpu.memory_space<vmem>>
    %dma_wait3A_120 = arith.constant 0 : i32
    %dma_wait3A_121 = arith.constant 0 : i32
    %dma_wait3A_122 = tpu.memref_slice %arg15[%dma_wait3A_120, %dma_wait3A_121] : memref<10000x8xf32, #tpu.memory_space<vmem_shared>> -> memref<10000x8xf32, #tpu.memory_space<vmem_shared>>
    tpu.wait_indirect_dma semaphore(%arg18 : memref<!tpu.dma_semaphore, #tpu.memory_space<semaphore_mem>>) src(%dma_wait3A_117 : memref<16x8xf32, #tpu.memory_space<vmem>>) dst(%dma_wait3A_122 : memref<10000x8xf32, #tpu.memory_space<vmem_shared>>)
    %barrier3A_123 = arith.constant 0 : index
    tpu.barrier barrier_id(%barrier3A_123)
    "tpu.region"() ({
      %run_scoped3A_124 = tpu.sem_alloc : memref<!tpu.dma_semaphore, #tpu.memory_space<semaphore_mem>>
      %dma_start3A_125 = arith.constant 0 : i32
      %dma_start3A_126 = tpu.memref_slice %arg7[%arg0, %mul3A_7, %dma_start3A_125] : memref<2x10000x128xbf16, #tpu.memory_space<hbm>> -> memref<1x625x128xbf16, #tpu.memory_space<hbm>>
      %dma_start3A_127 = tpu.memref_squeeze %dma_start3A_126 : memref<1x625x128xbf16, #tpu.memory_space<hbm>> -> memref<625x128xbf16, #tpu.memory_space<hbm>>
      %dma_start3A_128 = arith.constant 0 : i32
      %dma_start3A_129 = tpu.memref_slice %arg14[%mul3A_7, %dma_start3A_128] : memref<10000x128xbf16, #tpu.memory_space<vmem_shared>> -> memref<625x128xbf16, #tpu.memory_space<vmem_shared>>
      tpu.enqueue_dma source(%dma_start3A_129 : memref<625x128xbf16, #tpu.memory_space<vmem_shared>>) target(%dma_start3A_127 : memref<625x128xbf16, #tpu.memory_space<hbm>>) target_semaphore(%run_scoped3A_124 : memref<!tpu.dma_semaphore, #tpu.memory_space<semaphore_mem>>)
      %dma_wait3A_130 = arith.constant 0 : i32
      %dma_wait3A_131 = tpu.memref_slice %arg7[%arg0, %mul3A_7, %dma_wait3A_130] : memref<2x10000x128xbf16, #tpu.memory_space<hbm>> -> memref<1x625x128xbf16, #tpu.memory_space<hbm>>
      %dma_wait3A_132 = tpu.memref_squeeze %dma_wait3A_131 : memref<1x625x128xbf16, #tpu.memory_space<hbm>> -> memref<625x128xbf16, #tpu.memory_space<hbm>>
      %dma_wait3A_133 = arith.constant 0 : i32
      %dma_wait3A_134 = tpu.memref_slice %arg14[%mul3A_7, %dma_wait3A_133] : memref<10000x128xbf16, #tpu.memory_space<vmem_shared>> -> memref<625x128xbf16, #tpu.memory_space<vmem_shared>>
      tpu.wait_dma2 semaphore(%run_scoped3A_124 : memref<!tpu.dma_semaphore, #tpu.memory_space<semaphore_mem>>) src(%dma_wait3A_134 : memref<625x128xbf16, #tpu.memory_space<vmem_shared>>) dst(%dma_wait3A_132 : memref<625x128xbf16, #tpu.memory_space<hbm>>)
      tpu.yield
    }) : () -> ()
    "tpu.region"() ({
      %run_scoped3A_124 = tpu.sem_alloc : memref<!tpu.dma_semaphore, #tpu.memory_space<semaphore_mem>>
      %dma_start3A_125 = arith.constant 0 : i32
      %dma_start3A_126 = tpu.memref_slice %arg8[%arg0, %mul3A_7, %dma_start3A_125] : memref<2x10000x8xf32, #tpu.memory_space<hbm>> -> memref<1x625x8xf32, #tpu.memory_space<hbm>>
      %dma_start3A_127 = tpu.memref_squeeze %dma_start3A_126 : memref<1x625x8xf32, #tpu.memory_space<hbm>> -> memref<625x8xf32, #tpu.memory_space<hbm>>
      %dma_start3A_128 = arith.constant 0 : i32
      %dma_start3A_129 = tpu.memref_slice %arg15[%mul3A_7, %dma_start3A_128] : memref<10000x8xf32, #tpu.memory_space<vmem_shared>> -> memref<625x8xf32, #tpu.memory_space<vmem_shared>>
      tpu.enqueue_dma source(%dma_start3A_129 : memref<625x8xf32, #tpu.memory_space<vmem_shared>>) target(%dma_start3A_127 : memref<625x8xf32, #tpu.memory_space<hbm>>) target_semaphore(%run_scoped3A_124 : memref<!tpu.dma_semaphore, #tpu.memory_space<semaphore_mem>>)
      %dma_wait3A_130 = arith.constant 0 : i32
      %dma_wait3A_131 = tpu.memref_slice %arg8[%arg0, %mul3A_7, %dma_wait3A_130] : memref<2x10000x8xf32, #tpu.memory_space<hbm>> -> memref<1x625x8xf32, #tpu.memory_space<hbm>>
      %dma_wait3A_132 = tpu.memref_squeeze %dma_wait3A_131 : memref<1x625x8xf32, #tpu.memory_space<hbm>> -> memref<625x8xf32, #tpu.memory_space<hbm>>
      %dma_wait3A_133 = arith.constant 0 : i32
      %dma_wait3A_134 = tpu.memref_slice %arg15[%mul3A_7, %dma_wait3A_133] : memref<10000x8xf32, #tpu.memory_space<vmem_shared>> -> memref<625x8xf32, #tpu.memory_space<vmem_shared>>
      tpu.wait_dma2 semaphore(%run_scoped3A_124 : memref<!tpu.dma_semaphore, #tpu.memory_space<semaphore_mem>>) src(%dma_wait3A_134 : memref<625x8xf32, #tpu.memory_space<vmem_shared>>) dst(%dma_wait3A_132 : memref<625x8xf32, #tpu.memory_space<hbm>>)
      tpu.yield
    }) : () -> ()
    return
  }
}

module attributes {stable_mosaic.version = 14 : i64} {
  func.func @_combine_body(%arg0: i32, %arg1: memref<1xf32, #tpu.memory_space<smem>>, %arg2: memref<1000x128xf32, #tpu.memory_space<vmem>>, %arg3: memref<2x1000x128xbf16, #tpu.memory_space<vmem>>, %arg4: memref<2x1000x8xf32, #tpu.memory_space<vmem>>, %arg5: memref<1000x128xf32, #tpu.memory_space<vmem>>) attributes {dimension_semantics = [#tpu.dimension_semantics<arbitrary>], iteration_bounds = array<i64: 10>, scalar_prefetch = 0 : i64, scratch_operands = 0 : i64, tpu.core_type = #tpu.core_type<tc>, window_params = [{transform_indices = @transform_0, window_bounds = array<i64: 1>}, {transform_indices = @transform_1, window_bounds = array<i64: 1000, 128>}, {transform_indices = @transform_2, window_bounds = array<i64: 2, 1000, 128>}, {transform_indices = @transform_3, window_bounds = array<i64: 2, 1000, 8>}, {transform_indices = @transform_4, window_bounds = array<i64: 1000, 128>}]} {
    %get3A = arith.constant 0 : index
    %get3A_0 = arith.constant 0 : index
    %get3A_1 = vector.load %arg2[%get3A, %get3A_0] : memref<1000x128xf32, #tpu.memory_space<vmem>>, vector<1000x128xf32>
    %get3A_2 = arith.constant 0 : index
    %get3A_3 = arith.constant 0 : index
    %get3A_4 = arith.constant 0 : index
    %get3A_5 = vector.load %arg3[%get3A_2, %get3A_3, %get3A_4] : memref<2x1000x128xbf16, #tpu.memory_space<vmem>>, vector<1x1000x128xbf16>
    %get3A_6 = vector.shape_cast %get3A_5 : vector<1x1000x128xbf16> to vector<1000x128xbf16>
    %convert_element_type3A = arith.extf %get3A_6 : vector<1000x128xbf16> to vector<1000x128xf32>
    %get3A_7 = arith.constant 1 : index
    %get3A_8 = arith.constant 0 : index
    %get3A_9 = arith.constant 0 : index
    %get3A_10 = vector.load %arg3[%get3A_7, %get3A_8, %get3A_9] : memref<2x1000x128xbf16, #tpu.memory_space<vmem>>, vector<1x1000x128xbf16>
    %get3A_11 = vector.shape_cast %get3A_10 : vector<1x1000x128xbf16> to vector<1000x128xbf16>
    %convert_element_type3A_12 = arith.extf %get3A_11 : vector<1000x128xbf16> to vector<1000x128xf32>
    %add3A = arith.addf %convert_element_type3A, %convert_element_type3A_12 : vector<1000x128xf32>
    %get3A_13 = arith.constant 0 : index
    %get3A_14 = arith.constant 0 : index
    %get3A_15 = arith.constant 0 : index
    %get3A_16 = vector.load %arg4[%get3A_13, %get3A_14, %get3A_15] : memref<2x1000x8xf32, #tpu.memory_space<vmem>>, vector<1x1000x1xf32>
    %get3A_17 = vector.shape_cast %get3A_16 : vector<1x1000x1xf32> to vector<1000x1xf32>
    %get3A_18 = arith.constant 1 : index
    %get3A_19 = arith.constant 0 : index
    %get3A_20 = arith.constant 0 : index
    %get3A_21 = vector.load %arg4[%get3A_18, %get3A_19, %get3A_20] : memref<2x1000x8xf32, #tpu.memory_space<vmem>>, vector<1x1000x1xf32>
    %get3A_22 = vector.shape_cast %get3A_21 : vector<1x1000x1xf32> to vector<1000x1xf32>
    %add3A_23 = arith.addf %get3A_17, %get3A_22 : vector<1000x1xf32>
    %max3A = arith.constant 1.000000e+00 : f32
    %max3A_24 = vector.broadcast %max3A : f32 to vector<1000x1xf32>
    %max3A_25 = arith.maximumf %add3A_23, %max3A_24 : vector<1000x1xf32>
    %get3A_26 = arith.constant 0 : index
    %get3A_27 = memref.load %arg1[%get3A_26] : memref<1xf32, #tpu.memory_space<smem>>
    %jit3A = arith.constant 0.000000e+00 : f32
    %jit3A_28 = arith.constant 2.000000e-01 : f32
    %max3A_29 = arith.maximumf %jit3A, %get3A_27 : f32
    %min3A = arith.minimumf %jit3A_28, %max3A_29 : f32
    %div3A = vector.broadcast %max3A_25 : vector<1000x1xf32> to vector<1000x128xf32>
    %div3A_30 = arith.divf %add3A, %div3A : vector<1000x128xf32>
    %mul3A = vector.broadcast %min3A : f32 to vector<1000x128xf32>
    %mul3A_31 = arith.mulf %mul3A, %div3A_30 : vector<1000x128xf32>
    %sub3A = arith.subf %get3A_1, %mul3A_31 : vector<1000x128xf32>
    %max3A_32 = arith.constant 0.000000e+00 : f32
    %max3A_33 = vector.broadcast %max3A_32 : f32 to vector<1000x128xf32>
    %max3A_34 = arith.maximumf %sub3A, %max3A_33 : vector<1000x128xf32>
    %swap3A = arith.constant 0 : index
    %swap3A_35 = arith.constant 0 : index
    %swap3A_36 = vector.load %arg5[%swap3A, %swap3A_35] : memref<1000x128xf32, #tpu.memory_space<vmem>>, vector<1000x128xf32>
    tpu.vector_store %arg5[%swap3A, %swap3A_35], %max3A_34 {strides = array<i32>} : memref<1000x128xf32, #tpu.memory_space<vmem>>, vector<1000x128xf32>,
    return
  }
  func.func @transform_0(%arg0: i32) -> i32 {
    %c0_i32 = arith.constant 0 : i32
    %c0_i32_0 = arith.constant 0 : i32
    return %c0_i32 : i32
  }
  func.func @transform_1(%arg0: i32) -> (i32, i32) {
    %c0_i32 = arith.constant 0 : i32
    %c0_i32_0 = arith.constant 0 : i32
    return %arg0, %c0_i32 : i32, i32
  }
  func.func @transform_2(%arg0: i32) -> (i32, i32, i32) {
    %c0_i32 = arith.constant 0 : i32
    %c0_i32_0 = arith.constant 0 : i32
    %c0_i32_1 = arith.constant 0 : i32
    return %c0_i32, %arg0, %c0_i32_0 : i32, i32, i32
  }
  func.func @transform_3(%arg0: i32) -> (i32, i32, i32) {
    %c0_i32 = arith.constant 0 : i32
    %c0_i32_0 = arith.constant 0 : i32
    %c0_i32_1 = arith.constant 0 : i32
    return %c0_i32, %arg0, %c0_i32_0 : i32, i32, i32
  }
  func.func @transform_4(%arg0: i32) -> (i32, i32) {
    %c0_i32 = arith.constant 0 : i32
    %c0_i32_0 = arith.constant 0 : i32
    return %arg0, %c0_i32 : i32, i32
  }
}

</mosaic_0001>

<sc_bundles>
// kernel: kernel.4.cloned.1.call-start
scs
__scs_entry_jumppad:
0x0: {  	(pc) =	sbr.rel $0x88, $3  }
0x1: {  	(tag) =	ssettag $0x0;
	lr =	simm.s32 $0x1  }
0x2: {  	[smem:$0x3F9E] =	sst lr;
	_ =	strace $0xD0000000  }
0x3: {  	_ = 	snop  }
0x4: {  	_ = 	snop  }
0x5: {  	_ = 	snop  }
0x6: {  	_ = 	snop  }
0x7: {  	_ = 	snop  }
__scs_overlays_trampoline_lowered:
0x8: {  	[smem:$0x3FAD] =	sst s0  }
0x9: {  	[smem:$0x3FAE] =	sst s1  }
0xa: {  	[smem:$0x3FAF] =	sst s2  }
0xb: {  	[smem:$0x3FB0] =	sst s3  }
0xc: {  	[smem:$0x3FB1] =	sst s4  }
0xd: {  	[smem:$0x3FB2] =	sst s5  }
0xe: {  	[smem:$0x3FB3] =	sst s6  }
0xf: {  	[smem:$0x3FB4] =	sst s7  }
0x10: {  	[smem:$0x3FB5] =	sst s8  }
0x11: {  	[smem:$0x3FB6] =	sst s9;
	s0 =	simm.s32 @!p0 $0x0  }
0x12: {  	s1 =	sld [smem:$0x3F9C];
	s0 =	simm.s32 @p0 $0x1  }
0x13: {  	[smem:$0x3FB7] =	sst s0;
	s0 =	simm.s32 @!p1 $0x0  }
0x14: {  	s2 =	sld [smem:$0x3F9B];
	s0 =	simm.s32 @p1 $0x1  }
0x15: {  	[smem:$0x3FB8] =	sst s0;
	s0 =	simm.s32 @!p2 $0x0  }
0x16: {  	s3 =	sld [smem:$0x3FDB];
	s0 =	simm.s32 @p2 $0x1  }
0x17: {  	s4 =	simm.s32 $0x1BF5;
	[smem:$0x3FBA] =	sst s0  }
0x18: {  	s0 =	sld [smem:$0x3F9D];
	_ =	swait.ge [sflag:s4], $0x0  }
0x19: {  	s7 =	sld [smem:$0x3F9E]  }
0x1a: {  	s8 =	sadd.s32 $0xFFFFE003, lr  }
0x1b: {  	s9 =	sadd.s32 $0xFFFFFEF7, lr;
	s5 =	simm.s32 $0xFFFFFFFF;
	p2 =	slt.u32 s8, $0xFFFFF086  }
0x1c: {  	p1 =	slt.u32 s9, $0xF7A;
	s5 =	simm.s32 @!p2 $0x0  }
0x1d: {  	s5 =	simm.s32 @p1 $0x1;
	p0 =	seq.s32 s7, s2  }
0x1e: {  	s7 =	smul.u32 @!p0 $0xF7A, s2;
	p2 =	seq.s32 @!p0 s5, $0x0  }
0x1f: {  	s9 =	smul.u32 $0xF7A, s1;
	s8 =	simm.s32 @!p0 $0x1BF5;
	p2 =	por !p2, p0  }
0x20: {  	[sflag:s8] =	ssyncset.s32 @!p0 $0xFFFFF086;
	s6 =	sadd.s32 @!p0 s3, s7;
	s7 =	simm.s32 @!p0 $0x108  }
0x21: {  	s3 =	sadd.s32 s3, s9;
	s6 =	sadd.s32 @!p0 $0x88, s6;
	s7 =	simm.s32 @p2 $0x1082  }
0x22: {  	[simem:s7], [sflag:s8] =	dma.local @!p0 [hbm:s6], $0xF7A  }
0x23: {  	s9 =	sor.u32 $0xD0000000, s2;
	s6 =	simm.s32 $0x108;
	_ =	swait.ge @!p0 [sflag:s8], $0x0  }
0x24: {  	s3 =	sadd.s32 $0x88, s3;
	s6 =	simm.s32 @!p1 $0x1082;
	[sflag:s4] =	ssyncset.s32 $0xFFFFF086  }
0x25: {  	[simem:s6], [sflag:s4] =	dma.local [hbm:s3], $0xF7A  }
0x26: {  	[smem:$0x3F9E] =	sst s1;
	(tag) =	ssettag s2;
	_ =	strace s9  }
0x27: {  	s1 =	sld [smem:$0x3FAE]  }
0x28: {  	s2 =	sld [smem:$0x3FAF]  }
0x29: {  	s4 =	sld [smem:$0x3FB1]  }
0x2a: {  	p0 =	seq.s32 s5, $0x0;
	s5 =	sld [smem:$0x3FB2]  }
0x2b: {  	s6 =	sld [smem:$0x3FB3]  }
0x2c: {  	s7 =	sld [smem:$0x3FB4]  }
0x2d: {  	s3 =	simm.s32 $0x108;
	s8 =	sld [smem:$0x3FB5]  }
0x2e: {  	s3 =	simm.s32 @!p0 $0x1082;
	s9 =	sld [smem:$0x3FB6]  }
0x2f: {  	lr =	sadd.s32 s0, s3;
	s0 =	sld [smem:$0x3FAD]  }
0x30: {  	s3 =	sld [smem:$0x3FB0]  }
0x31: {  	[smem:$0x3FB9] =	sst s10  }
0x32: {  	s10 =	sld [smem:$0x3FB7];
	_ =	sdelay $0x3  }
0x33: {  	p0 =	seq.s32 s10, $0x1;
	s10 =	sld [smem:$0x3FB9];
	_ =	sdelay $0x3  }
0x34: {  	[smem:$0x3FB9] =	sst s10  }
0x35: {  	s10 =	sld [smem:$0x3FB8];
	_ =	sdelay $0x3  }
0x36: {  	p1 =	seq.s32 s10, $0x1;
	s10 =	sld [smem:$0x3FB9];
	_ =	sdelay $0x3  }
0x37: {  	[smem:$0x3FB9] =	sst s10  }
0x38: {  	s10 =	sld [smem:$0x3FBA]  }
0x39: {  	_ = 	snop;
	(pc) =	sbr.ind lr, $3  }
0x3a: {  	_ = 	snop  }
0x3b: {  	_ = 	snop  }
0x3c: {  	p2 =	seq.s32 s10, $0x1;
	s10 =	sld [smem:$0x3FB9]  }
0x3d: {  	_ =	shalt  }
0x3e: {  	_ =	shalt  }
0x3f: {  	_ =	shalt  }
0x40: {  	_ =	shalt  }
0x41: {  	_ =	shalt  }
0x42: {  	_ =	shalt  }
0x43: {  	_ =	shalt  }
0x44: {  	_ =	shalt  }
0x45: {  	_ =	shalt  }
0x46: {  	_ =	shalt  }
0x47: {  	_ =	shalt  }
0x48: {  	_ =	shalt  }
0x49: {  	_ =	shalt  }
0x4a: {  	_ =	shalt  }
0x4b: {  	_ =	shalt  }
0x4c: {  	_ =	shalt  }
0x4d: {  	_ =	shalt  }
0x4e: {  	_ =	shalt  }
0x4f: {  	_ =	shalt  }
0x50: {  	_ =	shalt  }
0x51: {  	_ =	shalt  }
0x52: {  	_ =	shalt  }
0x53: {  	_ =	shalt  }
0x54: {  	_ =	shalt  }
0x55: {  	_ =	shalt  }
0x56: {  	_ =	shalt  }
0x57: {  	_ =	shalt  }
0x58: {  	_ =	shalt  }
0x59: {  	_ =	shalt  }
0x5a: {  	_ =	shalt  }
0x5b: {  	_ =	shalt  }
0x5c: {  	_ =	shalt  }
0x5d: {  	_ =	shalt  }
0x5e: {  	_ =	shalt  }
0x5f: {  	_ =	shalt  }
0x60: {  	_ =	shalt  }
0x61: {  	_ =	shalt  }
0x62: {  	_ =	shalt  }
0x63: {  	_ =	shalt  }
0x64: {  	_ =	shalt  }
0x65: {  	_ =	shalt  }
0x66: {  	_ =	shalt  }
0x67: {  	_ =	shalt  }
0x68: {  	_ =	shalt  }
0x69: {  	_ =	shalt  }
0x6a: {  	_ =	shalt  }
0x6b: {  	_ =	shalt  }
0x6c: {  	_ =	shalt  }
0x6d: {  	_ =	shalt  }
0x6e: {  	_ =	shalt  }
0x6f: {  	_ =	shalt  }
0x70: {  	_ =	shalt  }
0x71: {  	_ =	shalt  }
0x72: {  	_ =	shalt  }
0x73: {  	_ =	shalt  }
0x74: {  	_ =	shalt  }
0x75: {  	_ =	shalt  }
0x76: {  	_ =	shalt  }
0x77: {  	_ =	shalt  }
0x78: {  	_ =	shalt  }
0x79: {  	_ =	shalt  }
0x7a: {  	_ =	shalt  }
0x7b: {  	_ =	shalt  }
0x7c: {  	_ =	shalt  }
0x7d: {  	_ =	shalt  }
0x7e: {  	_ =	shalt  }
0x7f: {  	_ =	shalt  }
0x80: {  	_ =	shalt  }
0x81: {  	_ =	shalt  }
0x82: {  	_ =	shalt  }
0x83: {  	_ =	shalt  }
0x84: {  	_ =	shalt  }
0x85: {  	_ =	shalt  }
0x86: {  	_ =	shalt  }
0x87: {  	_ =	shalt  }
.Lfunc_end0:
.L_simem_size_0:
called_computation_lowered:
.L_overlay_start_0:
0x88: {  	s2 =	sld [smem:$0x3FD9]  }
0x89: {  	s3 =	sld [smem:$0x3FFE];
	_ =	sdelay $0x1  }
0x8a: {  	s1 =	srdreg.scid  }
0x8b: {  	s0 =	sand.u32 $0x1, s1  }
0x8c: {  	s17 =	sshll.u32 s0, $0xA;
	s2 =	sadd.s32 s3, s2  }
0x8d: {  	s2 =	sadd.s32 s2, s17  }
0x8e: {  	[smem:$0x3FC5] =	sst s2  }
0x8f: {  	_ = 	snop  }
0x90: {  	s2 =	sld [smem:$0x3FD0];
	(tm) =	ssettm $0x1  }
0x91: {  	s18 =	sld [smem:$0x3FFB];
	_ =	sdelay $0x3  }
0x92: {  	_ =	strace s18  }
0x93: {  	s3 =	sld [smem:$0x3FFC];
	_ =	sdelay $0x3  }
0x94: {  	_ =	strace s3  }
0x95: {  	s3 =	sld [smem:$0x3FFD];
	_ =	sdelay $0x3  }
0x96: {  	_ =	strace s3  }
0x97: {  	_ =	strace $0x8FFFFFFF  }
0x98: {  	s19 =	sld [smem:$0x3FDB];
	_ =	sdelay $0x1  }
0x99: {  	s4 =	simm.s32 $_scs_section_size  }
0x9a: {  	s5 =	simm.s32 $_size__tile_overlayer_lowered;
	s6 =	simm.s32 $_tile_overlayer_lowered  }
0x9b: {  	s22 =	simm.s32 $0x1BFF;
	s21 =	sshll.u32 s6, $0x1;
	s3 =	sadd.s32 s4, s19  }
0x9c: {  	s7 =	simm.s32 $0x0;
	s20 =	sshll.u32 s5, $0x1;
	s5 =	sadd.s32 s21, s3  }
0x9d: {  	[timem:s7], [sflag:s22] =	dma.local [hbm:s5], s20  }
0x9e: {  	_ =	swait.ge [sflag:s22], s20  }
0x9f: {  	s4 =	ssub.s32 $0x0, s20;
	[sflag:s22] =	ssyncset.done $0x0  }
0xa0: {  	[sflag:s22] =	ssyncadd.s32 s4;
	_ =	sdelay $0x1  }
0xa1: {  	s23 =	simm.s32 $0x1B8B  }
0xa2: {  	_ =	swait.ge [sflag:s23], $0x1  }
0xa3: {  	[sflag:s23] =	ssyncset.done $0x0  }
0xa4: {  	s25 =	simm.s32 $0x1B8E;
	s24 =	sld [smem:$0x3FFE];
	[sflag:s23] =	ssyncadd.s32 $0xFFFFFFFF  }
0xa5: {  	s26 =	simm.s32 $execute0_lowered;
	[smem:$0x3FD2] =	sst s25  }
0xa6: {  	s5 =	sshll.u32 s26, $0x1;
	_ =	strace $0x80000046;
	[dreg:$0x1] =	wrdreg $0xFFFFFFFF  }
0xa7: {  	s28 =	simm.s32 $_size_execute0_lowered;
	s3 =	sadd.s32 s3, s5;
	[dreg:$0x0] =	wrdreg $0x0  }
0xa8: {  	s5 =	sshll.u32 s28, $0x1;
	[dreg:$0x2] =	wrdreg s3  }
0xa9: {  	[dreg:$0x3] =	wrdreg s5  }
0xaa: {  	[dreg:$0x4] =	wrdreg $0xC0  }
0xab: {  	_ =	task [dreg:s7], $0x5FFFF  }
0xac: {  	[dreg:$0x1] =	wrdreg $0xFFFFFFFF  }
0xad: {  	[dreg:$0x0] =	wrdreg $0x60  }
0xae: {  	[dreg:$0x2] =	wrdreg s24  }
0xaf: {  	[dreg:$0x3] =	wrdreg s2  }
0xb0: {  	[dreg:$0x4] =	wrdreg $0x92200  }
0xb1: {  	[dreg:$0x5] =	wrdreg $0x12E600  }
0xb2: {  	[dreg:$0x6] =	wrdreg $0x9  }
0xb3: {  	_ =	task.clear_ibuf [dreg:s7], $0x7FFFF;
	_ =	strace $0x90000046  }
0xb4: {  	s29 =	simm.s32 $0x9;
	_ =	strace $0x80000048  }
0xb5: {  	_ =	swait.ge [sflag:s29], $0x1  }
0xb6: {  	[sflag:s29] =	ssyncadd.s32 $0xFFFFFFFF  }
0xb7: {  	_ =	strace $0x90000048  }
0xb8: {  	_ =	sfence  }
0xb9: {  	s30 =	sld [smem:$0x0];
	_ =	sdelay $0x2  }
0xba: {  	s31 =	sshll.u32 s1, $0xD;
	s1 =	sshrl.u32 s1, $0x2  }
0xbb: {  	s3 =	sand.u32 $0x4000, s31;
	s1 =	sadd.s32 s1, s30  }
0xbc: {  	s0 =	sor.u32 s3, s0;
	s1 =	sshll.u32 s1, $0x11  }
0xbd: {  	s0 =	sor.u32 s1, s0  }
0xbe: {  	s0 =	sadd.s32 $0x8F2B, s0  }
0xbf: {  	[sflag:s0] =	ssyncadd.remote.s32 $0x1  }
0xc0: {  	_ =	sfence.sel $0xFFFF  }
0xc1: {  	[dreg:$0x0] =	wrdreg $0xFFFFFFFF;
	(pc) =	sbr.abs _section_cstart, $3  }
0xc2: {  	[dreg:$0x1] =	wrdreg $0xFFFFFFFF  }
0xc3: {  	_ =	task.clear_ibuf [dreg:s7], $0x2FFFF;
	_ =	strace $0x9FFFFFFF  }
0xc4: {  	(tm) =	ssettm $0x7FFFFFFF  }
0xc5: {  	_ =	shalt  }
tec
execute0_lowered:
.L_overlay_start_1:
0x0: {  	(tag) =	ssettag $0x1  }
0x1: {  	s0 =	rddreg [dreg:$0x0]  }
0x2: {  	s1 =	rddreg [dreg:$0x1];
	s3 =	srdreg.scid  }
0x3: {  	s2 =	rddreg [dreg:$0x2];
	s15 =	stileid.u32;
	s4 =	simm.s32 $0x0  }
0x4: {  	s6 =	sand.u32 $0x1, s3;
	s3 =	rddreg [dreg:$0x3];
	s9 =	smul.u32 $0x1388, s15  }
0x5: {  	[smem:$0x7FF] =	sst s4;
	s26 =	sadd.s32 $0xE00, s0;
	s14 =	smul.u32 $0x13880, s15  }
0x6: {  	s8 =	sadd.s32 $0x28400, s0;
	s29 =	smul.u32 $0x271, s15;
	s5 =	sshll.u32 s6, $0x4  }
0x7: {  	_ =	strace $0x80000047;
	s10 =	smul.u32 $0x13880, s6;
	[dreg:$0x5] =	wrdreg s26  }
0x8: {  	s12 =	ssub.s32 $0x2, s6;
	s6 =	smul.u32 $0x138800, s6;
	s5 =	sor.u32 s15, s5  }
0x9: {  	s13 =	sshrl.u32 s12, $0x1;
	s18 =	sshrl.u32 s14, $0x1;
	s19 =	sadd.s32 $0x40, s29  }
0xa: {  	s21 =	sadd.s32 $0x80, s29;
	s16 =	sadd.s32 $0xC0, s29;
	s24 =	sadd.s32 $0x140, s29  }
0xb: {  	s7 =	smul.u32 $0x2710, s5;
	s5 =	sadd.s32 $0x14A00, s0;
	s10 =	sadd.s32 s9, s10  }
0xc: {  	s28 =	ssub.s32 s12, s13;
	s9 =	sadd.s32 s9, s3;
	s20 =	sshll.u32 s19, $0x6  }
0xd: {  	s22 =	sshll.u32 s21, $0x6;
	s13 =	sshll.u32 s21, $0x3;
	s6 =	sadd.s32 s14, s6  }
0xe: {  	s25 =	sshll.u32 s24, $0x6;
	s21 =	sadd.s32 $0x1C0, s29;
	s12 =	sadd.s32 $0x240, s29  }
0xf: {  	s10 =	sshrl.u32 s10, $0x3;
	[dreg:$0x9] =	wrdreg s9;
	s9 =	sshll.u32 s19, $0x3  }
0x10: {  	s15 =	sadd.s32 s22, s2;
	s13 =	sadd.s32 s13, s3;
	s6 =	sshrl.u32 s6, $0x4  }
0x11: {  	s19 =	sadd.s32 $0x180, s29;
	s22 =	sshll.u32 s21, $0x6;
	s21 =	sshll.u32 s21, $0x3  }
0x12: {  	s26 =	smax.u32 s28, $0x1;
	s7 =	sshrl.u32 s7, $0x3;
	s9 =	sadd.s32 s9, s3  }
0x13: {  	s1 =	sadd.s32 s1, s6;
	s6 =	sadd.s32 s25, s2;
	s22 =	sadd.s32 s22, s2  }
0x14: {  	s21 =	sadd.s32 s21, s3;
	s25 =	sshll.u32 s12, $0x6;
	s12 =	sshll.u32 s12, $0x3  }
0x15: {  	[dreg:$0xc] =	wrdreg s26;
	s11 =	sadd.s32 s7, s0;
	s7 =	sadd.s32 $0xC00, s0  }
0x16: {  	s0 =	sadd.s32 s10, s0;
	[dreg:$0xa] =	wrdreg s1;
	s1 =	sshll.u32 s24, $0x3  }
0x17: {  	s25 =	sadd.s32 s25, s2;
	s12 =	sadd.s32 s12, s3;
	s10 =	sshrl.u32 s13, $0x3  }
0x18: {  	s30 =	sshrl.u32 s21, $0x3;
	s21 =	simm.s32 $0x2700;
	s17 =	sadd.s32 $0x1000, s11  }
0x19: {  	s11 =	sadd.s32 $0xAC40, s11;
	s1 =	sadd.s32 s1, s3;
	[dreg:$0x10] =	wrdreg s10  }
0x1a: {  	s0 =	sadd.s32 $0x28600, s0;
	s10 =	simm.s32 $0x2710;
	[dreg:$0x6] =	wrdreg s17  }
0x1b: {  	[dreg:$0x7] =	wrdreg s11;
	s11 =	sadd.s32 s18, s2;
	s17 =	sshll.u32 s16, $0x6  }
0x1c: {  	s16 =	sshll.u32 s16, $0x3;
	s18 =	sadd.s32 $0x100, s29;
	[dreg:$0xb] =	wrdreg s0  }
0x1d: {  	[dreg:$0x8] =	wrdreg s11;
	s11 =	sadd.s32 s20, s2;
	s17 =	sadd.s32 s17, s2  }
0x1e: {  	s16 =	sadd.s32 s16, s3;
	s23 =	sshll.u32 s18, $0x6;
	s18 =	sshll.u32 s18, $0x3  }
0x1f: {  	s20 =	sshll.u32 s19, $0x6;
	s19 =	sshll.u32 s19, $0x3;
	s14 =	sadd.s32 s23, s2  }
0x20: {  	s18 =	sadd.s32 s18, s3;
	s20 =	sadd.s32 s20, s2;
	s19 =	sadd.s32 s19, s3  }
0x21: {  	s23 =	sadd.s32 $0x200, s29;
	s28 =	sshrl.u32 s11, $0x3;
	s29 =	sshrl.u32 s9, $0x3  }
0x22: {  	s9 =	sshrl.u32 s15, $0x3;
	s11 =	sshrl.u32 s17, $0x3;
	[dreg:$0xd] =	wrdreg s28  }
0x23: {  	s13 =	sshrl.u32 s16, $0x3;
	s17 =	sshrl.u32 s6, $0x3;
	[dreg:$0xe] =	wrdreg s29  }
0x24: {  	s6 =	sshrl.u32 s12, $0x3;
	s12 =	simm.s32 $0x80;
	[dreg:$0xf] =	wrdreg s9  }
0x25: {  	s24 =	sshll.u32 s23, $0x6;
	s23 =	sshll.u32 s23, $0x3;
	[dreg:$0x11] =	wrdreg s11  }
0x26: {  	[dreg:$0x12] =	wrdreg s13;
	s15 =	sshrl.u32 s14, $0x3;
	s16 =	sshrl.u32 s18, $0x3  }
0x27: {  	[dreg:$0x15] =	wrdreg s17;
	s18 =	sshrl.u32 s1, $0x3;
	s26 =	sshrl.u32 s20, $0x3  }
0x28: {  	s28 =	sshrl.u32 s19, $0x3;
	s29 =	sshrl.u32 s22, $0x3;
	s1 =	sshrl.u32 s25, $0x3  }
0x29: {  	s9 =	simm.s32 $0x4;
	s11 =	simm.s32 $0x8E20;
	[dreg:$0x13] =	wrdreg s15  }
0x2a: {  	s13 =	simm.s32 $0x4E20;
	s14 =	simm.s32 $0x6E20;
	[dreg:$0x14] =	wrdreg s16  }
0x2b: {  	s17 =	simm.s32 $0x2;
	s19 =	simm.s32 $0x10;
	[dreg:$0x16] =	wrdreg s18  }
0x2c: {  	s20 =	simm.s32 $0x2680;
	s22 =	simm.s32 $0x0;
	[dreg:$0x17] =	wrdreg s26  }
0x2d: {  	s24 =	sadd.s32 s24, s2;
	s23 =	sadd.s32 s23, s3;
	[dreg:$0x18] =	wrdreg s28  }
0x2e: {  	[dreg:$0x19] =	wrdreg s29;
	s15 =	simm.s32 $0x1;
	s16 =	simm.s32 $0x3  }
0x2f: {  	s18 =	simm.s32 $0x2600;
	s31 =	sshrl.u32 s24, $0x3;
	s0 =	sshrl.u32 s23, $0x3  }
.LBB2_1:
0x30: {  	s23 =	rddreg [dreg:$0x6]  }
0x31: {  	[tilespmem:s4], [sflag:$0x4] =	stream.linear.gather [hbm4b:s23+s4], $0x2710, $0x38;
	[tilespmem:$0x141E8] =	vst v63  }
0x32: {  	_ =	swait.ge [sflag:s9], $0x2710  }
0x33: {  	[sflag:s9] =	ssyncset.done $0x0  }
0x34: {  	s24 =	rddreg [dreg:$0x7];
	[sflag:s9] =	ssyncadd.s32 $0xFFFFD8F0  }
0x35: {  	[tilespmem:s10], [sflag:$0x4] =	stream.linear.gather [hbm4b:s24+s4], $0x2710, $0x38;
	[tilespmem:$0x141E8] =	vst v63  }
0x36: {  	_ =	swait.ge [sflag:s9], $0x2710  }
0x37: {  	[sflag:s9] =	ssyncset.done $0x0  }
0x38: {  	s25 =	rddreg [dreg:$0x5];
	[sflag:s9] =	ssyncadd.s32 $0xFFFFD8F0  }
0x39: {  	[tilespmem:s11], [sflag:$0x4] =	stream.linear.gather [hbm4b:s25+s4], $0x400, $0x38;
	[tilespmem:$0x141E8] =	vst v63  }
0x3a: {  	s26 =	stileid.u32;
	_ =	swait.ge [sflag:s9], $0x400  }
0x3b: {  	s23 =	sshll.u32 s26, $0x6;
	[sflag:s9] =	ssyncset.done $0x0;
	s24 =	rddreg [dreg:$0x8]  }
0x3c: {  	s23 =	sor.u32 $0x1C04, s23;
	[sflag:s9] =	ssyncadd.s32 $0xFFFFFC00;
	s24 =	sshrl.u32 s24, $0x3  }
0x3d: {  	[spmem:s24], [sflag:s23] =	dma.local [hbm:s7], $0x200  }
0x3e: {  	_ =	swait.ge [sflag:s9], $0x200  }
0x3f: {  	[sflag:s9] =	ssyncset.done $0x0;
	s25 =	rddreg [dreg:$0x9]  }
0x40: {  	[sflag:s9] =	ssyncadd.s32 $0xFFFFFE00;
	s25 =	sshrl.u32 s25, $0x3  }
0x41: {  	[spmem:s25], [sflag:s23] =	dma.local [hbm:s8], $0x40  }
0x42: {  	_ =	swait.ge [sflag:s9], $0x40  }
0x43: {  	[sflag:s9] =	ssyncset.done $0x0  }
0x44: {  	s26 =	rddreg [dreg:$0xd];
	[sflag:s9] =	ssyncadd.s32 $0xFFFFFFC0  }
0x45: {  	[spmem:s26], [sflag:s23] =	dma.local [hbm:s7], $0x200  }
0x46: {  	_ =	swait.ge [sflag:s9], $0x200  }
0x47: {  	[sflag:s9] =	ssyncset.done $0x0  }
0x48: {  	s29 =	rddreg [dreg:$0xe];
	[sflag:s9] =	ssyncadd.s32 $0xFFFFFE00  }
0x49: {  	[spmem:s29], [sflag:s23] =	dma.local [hbm:s8], $0x40  }
0x4a: {  	_ =	swait.ge [sflag:s9], $0x40  }
0x4b: {  	[sflag:s9] =	ssyncset.done $0x0  }
0x4c: {  	s29 =	rddreg [dreg:$0xf];
	[sflag:s9] =	ssyncadd.s32 $0xFFFFFFC0  }
0x4d: {  	[spmem:s29], [sflag:s23] =	dma.local [hbm:s7], $0x200  }
0x4e: {  	_ =	swait.ge [sflag:s9], $0x200  }
0x4f: {  	[sflag:s9] =	ssyncset.done $0x0  }
0x50: {  	s29 =	rddreg [dreg:$0x10];
	[sflag:s9] =	ssyncadd.s32 $0xFFFFFE00  }
0x51: {  	[spmem:s29], [sflag:s23] =	dma.local [hbm:s8], $0x40  }
0x52: {  	_ =	swait.ge [sflag:s9], $0x40  }
0x53: {  	[sflag:s9] =	ssyncset.done $0x0  }
0x54: {  	s29 =	rddreg [dreg:$0x11];
	[sflag:s9] =	ssyncadd.s32 $0xFFFFFFC0  }
0x55: {  	[spmem:s29], [sflag:s23] =	dma.local [hbm:s7], $0x200  }
0x56: {  	_ =	swait.ge [sflag:s9], $0x200  }
0x57: {  	[sflag:s9] =	ssyncset.done $0x0  }
0x58: {  	s29 =	rddreg [dreg:$0x12];
	[sflag:s9] =	ssyncadd.s32 $0xFFFFFE00  }
0x59: {  	[spmem:s29], [sflag:s23] =	dma.local [hbm:s8], $0x40  }
0x5a: {  	_ =	swait.ge [sflag:s9], $0x40  }
0x5b: {  	[sflag:s9] =	ssyncset.done $0x0  }
0x5c: {  	s29 =	rddreg [dreg:$0x13];
	[sflag:s9] =	ssyncadd.s32 $0xFFFFFFC0  }
0x5d: {  	[spmem:s29], [sflag:s23] =	dma.local [hbm:s7], $0x200  }
0x5e: {  	_ =	swait.ge [sflag:s9], $0x200  }
0x5f: {  	[sflag:s9] =	ssyncset.done $0x0  }
0x60: {  	s29 =	rddreg [dreg:$0x14];
	[sflag:s9] =	ssyncadd.s32 $0xFFFFFE00  }
0x61: {  	[spmem:s29], [sflag:s23] =	dma.local [hbm:s8], $0x40  }
0x62: {  	_ =	swait.ge [sflag:s9], $0x40  }
0x63: {  	[sflag:s9] =	ssyncset.done $0x0  }
0x64: {  	s29 =	rddreg [dreg:$0x15];
	[sflag:s9] =	ssyncadd.s32 $0xFFFFFFC0  }
0x65: {  	[spmem:s29], [sflag:s23] =	dma.local [hbm:s7], $0x200  }
0x66: {  	_ =	swait.ge [sflag:s9], $0x200  }
0x67: {  	[sflag:s9] =	ssyncset.done $0x0  }
0x68: {  	s29 =	rddreg [dreg:$0x16];
	[sflag:s9] =	ssyncadd.s32 $0xFFFFFE00  }
0x69: {  	[spmem:s29], [sflag:s23] =	dma.local [hbm:s8], $0x40  }
0x6a: {  	_ =	swait.ge [sflag:s9], $0x40  }
0x6b: {  	[sflag:s9] =	ssyncset.done $0x0  }
0x6c: {  	s29 =	rddreg [dreg:$0x17];
	[sflag:s9] =	ssyncadd.s32 $0xFFFFFFC0  }
0x6d: {  	[spmem:s29], [sflag:s23] =	dma.local [hbm:s7], $0x200  }
0x6e: {  	_ =	swait.ge [sflag:s9], $0x200  }
0x6f: {  	[sflag:s9] =	ssyncset.done $0x0  }
0x70: {  	s29 =	rddreg [dreg:$0x18];
	[sflag:s9] =	ssyncadd.s32 $0xFFFFFE00  }
0x71: {  	[spmem:s29], [sflag:s23] =	dma.local [hbm:s8], $0x40  }
0x72: {  	_ =	swait.ge [sflag:s9], $0x40  }
0x73: {  	[sflag:s9] =	ssyncset.done $0x0  }
0x74: {  	s29 =	rddreg [dreg:$0x19];
	[sflag:s9] =	ssyncadd.s32 $0xFFFFFFC0  }
0x75: {  	[spmem:s29], [sflag:s23] =	dma.local [hbm:s7], $0x200  }
0x76: {  	_ =	swait.ge [sflag:s9], $0x200  }
0x77: {  	[sflag:s9] =	ssyncset.done $0x0  }
0x78: {  	[sflag:s9] =	ssyncadd.s32 $0xFFFFFE00  }
0x79: {  	[spmem:s30], [sflag:s23] =	dma.local [hbm:s8], $0x40  }
0x7a: {  	_ =	swait.ge [sflag:s9], $0x40  }
0x7b: {  	[sflag:s9] =	ssyncset.done $0x0  }
0x7c: {  	[sflag:s9] =	ssyncadd.s32 $0xFFFFFFC0  }
0x7d: {  	[spmem:s31], [sflag:s23] =	dma.local [hbm:s7], $0x200  }
0x7e: {  	_ =	swait.ge [sflag:s9], $0x200  }
0x7f: {  	[sflag:s9] =	ssyncset.done $0x0  }
0x80: {  	[sflag:s9] =	ssyncadd.s32 $0xFFFFFE00  }
0x81: {  	[spmem:s0], [sflag:s23] =	dma.local [hbm:s8], $0x40  }
0x82: {  	_ =	swait.ge [sflag:s9], $0x40  }
0x83: {  	[sflag:s9] =	ssyncset.done $0x0  }
0x84: {  	[sflag:s9] =	ssyncadd.s32 $0xFFFFFFC0  }
0x85: {  	[spmem:s1], [sflag:s23] =	dma.local [hbm:s7], $0x188  }
0x86: {  	_ =	swait.ge [sflag:s9], $0x188  }
0x87: {  	[sflag:s9] =	ssyncset.done $0x0  }
0x88: {  	[sflag:s9] =	ssyncadd.s32 $0xFFFFFE78  }
0x89: {  	[spmem:s6], [sflag:s23] =	dma.local [hbm:s8], $0x31  }
0x8a: {  	_ =	swait.ge [sflag:s9], $0x31  }
0x8b: {  	[sflag:s9] =	ssyncset.done $0x0  }
0x8c: {  	[sflag:s9] =	ssyncadd.s32 $0xFFFFFFCF  }
0x8d: {  	[bflag:$0x0] =	sbarrier.arrive $0xFFFF  }
0x8e: {  	[tilespmem:s13], [sflag:$0x1] =	stream.indirect.gather [hbm4b:s5+s12], $0x40, s10, s12, $0xb8;
	[tilespmem:$0x141E8] =	vst v63  }
0x8f: {  	s29 =	simm.s32 $0x2790  }
0x90: {  	[tilespmem:s14], [sflag:$0x2] =	stream.indirect.gather [hbm4b:s5+s12], $0x40, s29, s12, $0xb8;
	[tilespmem:$0x141E8] =	vst v63  }
0x91: {  	_ =	swait.ge [sflag:s15], $0x2000  }
0x92: {  	[sflag:s15] =	ssyncset.done $0x0  }
0x93: {  	s29 =	simm.s32 $0x0;
	[sflag:s15] =	ssyncadd.s32 $0xFFFFE000  }
0x94: {  	[spmem:s3] =	stream.indirect.scatter.add.f32 [tilespmem:s11], [sflag:$0x3], $0x8, s29, s12, $0xb8;
	[tilespmem:$0x141E8] =	vst v63  }
0x95: {  	_ = 	snop  }
0x96: {  	[spmem:s2] =	stream.indirect.scatter.add.bf16 [tilespmem:s13], [sflag:$0x4], $0x40, s29, s12, $0xb8;
	[tilespmem:$0x141E8] =	vst v63  }
0x97: {  	_ =	swait.ge [sflag:s9], $0x2000  }
0x98: {  	[sflag:s9] =	ssyncset.done $0x0  }
0x99: {  	[sflag:s9] =	ssyncadd.s32 $0xFFFFE000  }
0x9a: {  	_ =	swait.ge [sflag:s16], $0x400  }
0x9b: {  	[sflag:s16] =	ssyncset.done $0x0  }
0x9c: {  	s29 =	simm.s32 $0x2810;
	[sflag:s16] =	ssyncadd.s32 $0xFFFFFC00  }
0x9d: {  	[tilespmem:s13], [sflag:$0x1] =	stream.indirect.gather [hbm4b:s5+s12], $0x40, s29, s12, $0xb8;
	[tilespmem:$0x141E8] =	vst v63  }
0x9e: {  	_ =	swait.ge [sflag:s17], $0x2000  }
0x9f: {  	[sflag:s17] =	ssyncset.done $0x0  }
0xa0: {  	s29 =	simm.s32 $0x80;
	[sflag:s17] =	ssyncadd.s32 $0xFFFFE000  }
0xa1: {  	[spmem:s3] =	stream.indirect.scatter.add.f32 [tilespmem:s11], [sflag:$0x3], $0x8, s29, s12, $0xb8;
	[tilespmem:$0x141E8] =	vst v63  }
0xa2: {  	_ = 	snop  }
0xa3: {  	[spmem:s2] =	stream.indirect.scatter.add.bf16 [tilespmem:s14], [sflag:$0x4], $0x40, s29, s12, $0xb8;
	[tilespmem:$0x141E8] =	vst v63  }
0xa4: {  	_ =	swait.ge [sflag:s9], $0x2000  }
0xa5: {  	[sflag:s9] =	ssyncset.done $0x0  }
0xa6: {  	[sflag:s9] =	ssyncadd.s32 $0xFFFFE000  }
0xa7: {  	_ =	swait.ge [sflag:s16], $0x400  }
0xa8: {  	[sflag:s16] =	ssyncset.done $0x0  }
0xa9: {  	s28 =	simm.s32 $0x2890;
	s26 =	simm.s32 $0x400;
	[sflag:s16] =	ssyncadd.s32 $0xFFFFFC00  }
.LBB2_2:
0xaa: {  	[tilespmem:s14], [sflag:$0x2] =	stream.indirect.gather [hbm4b:s5+s12], $0x40, s28, s12, $0xb8;
	[tilespmem:$0x141E8] =	vst v63  }
0xab: {  	s28 =	smov.u32 s26  }
0xac: {  	p0 =	sne.s32 s26, $0x9400;
	s26 =	sadd.s32 $0x400, s26;
	_ =	swait.ge [sflag:s15], $0x2000  }
0xad: {  	[sflag:s15] =	ssyncset.done $0x0  }
0xae: {  	s28 =	sshra.s32 s28, $0x2;
	[sflag:s15] =	ssyncadd.s32 $0xFFFFE000  }
0xaf: {  	[spmem:s3] =	stream.indirect.scatter.add.f32 [tilespmem:s11], [sflag:$0x3], $0x8, s28, s12, $0xb8;
	[tilespmem:$0x141E8] =	vst v63  }
0xb0: {  	_ = 	snop  }
0xb1: {  	[spmem:s2] =	stream.indirect.scatter.add.bf16 [tilespmem:s13], [sflag:$0x4], $0x40, s28, s12, $0xb8;
	[tilespmem:$0x141E8] =	vst v63  }
0xb2: {  	_ =	swait.ge [sflag:s9], $0x2000  }
0xb3: {  	[sflag:s9] =	ssyncset.done $0x0  }
0xb4: {  	[sflag:s9] =	ssyncadd.s32 $0xFFFFE000  }
0xb5: {  	_ =	swait.ge [sflag:s16], $0x400  }
0xb6: {  	[sflag:s16] =	ssyncset.done $0x0  }
0xb7: {  	s29 =	sadd.s32 $0x2810, s28;
	[sflag:s16] =	ssyncadd.s32 $0xFFFFFC00  }
0xb8: {  	[tilespmem:s13], [sflag:$0x1] =	stream.indirect.gather [hbm4b:s5+s12], $0x40, s29, s12, $0xb8;
	[tilespmem:$0x141E8] =	vst v63  }
0xb9: {  	_ =	swait.ge [sflag:s17], $0x2000  }
0xba: {  	[sflag:s17] =	ssyncset.done $0x0  }
0xbb: {  	s29 =	sadd.s32 $0x80, s28;
	[sflag:s17] =	ssyncadd.s32 $0xFFFFE000  }
0xbc: {  	[spmem:s3] =	stream.indirect.scatter.add.f32 [tilespmem:s11], [sflag:$0x3], $0x8, s29, s12, $0xb8;
	[tilespmem:$0x141E8] =	vst v63  }
0xbd: {  	_ = 	snop  }
0xbe: {  	[spmem:s2] =	stream.indirect.scatter.add.bf16 [tilespmem:s14], [sflag:$0x4], $0x40, s29, s12, $0xb8;
	[tilespmem:$0x141E8] =	vst v63  }
0xbf: {  	_ =	swait.ge [sflag:s9], $0x2000  }
.Ltmp0:
0xc0: {  	[sflag:s9] =	ssyncset.done $0x0;
	(pc) =	sbr.rel @p0 .LBB2_2-.Ltmp0, $4  }
0xc1: {  	[sflag:s9] =	ssyncadd.s32 $0xFFFFE000  }
0xc2: {  	_ =	swait.ge [sflag:s16], $0x400  }
0xc3: {  	[sflag:s16] =	ssyncset.done $0x0  }
0xc4: {  	s28 =	sadd.s32 $0x2890, s28;
	[sflag:s16] =	ssyncadd.s32 $0xFFFFFC00  }
0xc5: {  	[tilespmem:s14], [sflag:$0x2] =	stream.indirect.gather [hbm4b:s5+s12], $0x40, s28, s12, $0xb8;
	[tilespmem:$0x141E8] =	vst v63  }
0xc6: {  	_ =	swait.ge [sflag:s15], $0x2000  }
0xc7: {  	[sflag:s15] =	ssyncset.done $0x0  }
0xc8: {  	[sflag:s15] =	ssyncadd.s32 $0xFFFFE000  }
0xc9: {  	[spmem:s3] =	stream.indirect.scatter.add.f32 [tilespmem:s11], [sflag:$0x3], $0x8, s18, s12, $0xb8;
	[tilespmem:$0x141E8] =	vst v63  }
0xca: {  	_ = 	snop  }
0xcb: {  	[spmem:s2] =	stream.indirect.scatter.add.bf16 [tilespmem:s13], [sflag:$0x4], $0x40, s18, s12, $0xb8;
	[tilespmem:$0x141E8] =	vst v63  }
0xcc: {  	_ =	swait.ge [sflag:s9], $0x2000  }
0xcd: {  	[sflag:s9] =	ssyncset.done $0x0  }
0xce: {  	[sflag:s9] =	ssyncadd.s32 $0xFFFFE000  }
0xcf: {  	_ =	swait.ge [sflag:s16], $0x400  }
0xd0: {  	[sflag:s16] =	ssyncset.done $0x0  }
0xd1: {  	s26 =	simm.s32 $0x4E10;
	[sflag:s16] =	ssyncadd.s32 $0xFFFFFC00  }
0xd2: {  	[tilespmem:s13], [sflag:$0x1] =	stream.indirect.gather [hbm4b:s5+s19], $0x40, s26, s19, $0xb8;
	[tilespmem:$0x141E8] =	vst v63  }
0xd3: {  	_ =	swait.ge [sflag:s17], $0x2000  }
0xd4: {  	[sflag:s17] =	ssyncset.done $0x0  }
0xd5: {  	[sflag:s17] =	ssyncadd.s32 $0xFFFFE000  }
0xd6: {  	[spmem:s3] =	stream.indirect.scatter.add.f32 [tilespmem:s11], [sflag:$0x3], $0x8, s20, s12, $0xb8;
	[tilespmem:$0x141E8] =	vst v63  }
0xd7: {  	_ = 	snop  }
0xd8: {  	[spmem:s2] =	stream.indirect.scatter.add.bf16 [tilespmem:s14], [sflag:$0x4], $0x40, s20, s12, $0xb8;
	[tilespmem:$0x141E8] =	vst v63  }
0xd9: {  	_ =	swait.ge [sflag:s9], $0x2000  }
0xda: {  	[sflag:s9] =	ssyncset.done $0x0  }
0xdb: {  	[sflag:s9] =	ssyncadd.s32 $0xFFFFE000  }
0xdc: {  	_ =	swait.ge [sflag:s16], $0x400  }
0xdd: {  	[sflag:s16] =	ssyncset.done $0x0  }
0xde: {  	[sflag:s16] =	ssyncadd.s32 $0xFFFFFC00  }
0xdf: {  	_ =	swait.ge [sflag:s15], $0x400  }
0xe0: {  	[sflag:s15] =	ssyncset.done $0x0  }
0xe1: {  	[sflag:s15] =	ssyncadd.s32 $0xFFFFFC00  }
0xe2: {  	[spmem:s3] =	stream.indirect.scatter.add.f32 [tilespmem:s11], [sflag:$0x3], $0x8, s21, s19, $0xb8;
	[tilespmem:$0x141E8] =	vst v63  }
0xe3: {  	_ = 	snop  }
0xe4: {  	[spmem:s2] =	stream.indirect.scatter.add.bf16 [tilespmem:s13], [sflag:$0x4], $0x40, s21, s19, $0xb8;
	[tilespmem:$0x141E8] =	vst v63  }
0xe5: {  	_ =	swait.ge [sflag:s9], $0x400  }
0xe6: {  	[sflag:s9] =	ssyncset.done $0x0  }
0xe7: {  	[sflag:s9] =	ssyncadd.s32 $0xFFFFFC00  }
0xe8: {  	_ =	swait.ge [sflag:s16], $0x80  }
0xe9: {  	[sflag:s16] =	ssyncset.done $0x0  }
0xea: {  	[sflag:s16] =	ssyncadd.s32 $0xFFFFFF80  }
0xeb: {  	[bflag:$0x0] =	sbarrier.arrive $0xFFFF  }
0xec: {  	s29 =	rddreg [dreg:$0xa]  }
0xed: {  	[hbm:s29], [sflag:s23] =	dma.local [spmem:s24], $0x1388  }
0xee: {  	_ =	swait.ge [sflag:s9], $0x1388  }
0xef: {  	[sflag:s9] =	ssyncset.done $0x0  }
0xf0: {  	s28 =	rddreg [dreg:$0xb];
	[sflag:s9] =	ssyncadd.s32 $0xFFFFEC78  }
0xf1: {  	[hbm:s28], [sflag:s23] =	dma.local [spmem:s25], $0x271  }
0xf2: {  	_ =	swait.ge [sflag:s9], $0x271  }
0xf3: {  	s22 =	sadd.s32 $0x1, s22;
	s29 =	rddreg [dreg:$0xc]  }
0xf4: {  	p0 =	sne.s32 s22, s29  }
.Ltmp1:
0xf5: {  	_ = 	snop;
	(pc) =	sbr.rel @p0 .LBB2_1-.Ltmp1, $3  }
0xf6: {  	_ =	sdelay $0x1  }
0xf7: {  	[sflag:s9] =	ssyncset.done $0x0  }
0xf8: {  	[sflag:s9] =	ssyncadd.s32 $0xFFFFFD8F  }
0xf9: {  	_ =	sfence.sel $0x180000  }
0xfa: {  	[bflag:$0x0] =	sbarrier.arrive $0xFFFF  }
0xfb: {  	_ =	strace $0x90000047  }
0xfc: {  	s0 =	stileid.u32;
	[bflag:$0x2] =	sbarrier.arrive $0xFFFF  }
0xfd: {  	p0 =	sne.s32 s0, $0x0;
	s0 =	rddreg [dreg:$0x4]  }
0xfe: {  	s0 =	sadd.s32 @!p0 $0x100000, s0  }
0xff: {  	[sflag:s0] =	ssyncadd.tile.s32 @!p0 $0x1;
	_ =	shalt  }
.Lfunc_end2:
_tile_overlayer_lowered:
.L_overlay_start_2:
0x100: {  	(tag) =	ssettag $0x2  }
0x101: {  	s0 =	rddreg [dreg:$0x0];
	s2 =	stileid.u32  }
0x102: {  	s1 =	rddreg [dreg:$0x1];
	p0 =	sne.s32 s2, $0x0  }
0x103: {  	s3 =	rddreg [dreg:$0x2];
	[bflag:$0x3] =	sbarrier.arrive $0xFFFF;
	s2 =	simm.s32 @!p0 $0x1C04  }
0x104: {  	[timem:s3], [sflag:s2] =	dma.local @!p0 [hbm:s0], s1  }
0x105: {  	s0 =	simm.s32 @!p0 $0x4  }
0x106: {  	_ =	swait.ge @!p0 [sflag:s0], s1  }
0x107: {  	s1 =	ssub.s32 @!p0 $0x0, s1;
	[sflag:s0] =	ssyncset.done @!p0 $0x0  }
0x108: {  	[sflag:s0] =	ssyncadd.s32 @!p0 s1  }
0x109: {  	[bflag:$0x3] =	sbarrier.arrive $0xFFFF  }
0x10a: {  	_ =	shalt  }

</sc_bundles>
